<compile_context>
chip_gen: v7x
topology: tpu7x:2x2x1
jax: 0.10.2.dev20260603
libtpu: 0.0.44.dev20260713+nightly
codegen_flags: <defaults>
</compile_context>

<pallas_src>
import functools

import jax
import jax.numpy as jnp
from jax import lax
from jax.experimental import pallas as pl
from jax.experimental.pallas import tpu as pltpu
from jax.experimental.pallas import tpu_sc as plsc

VOCAB = 1000
VPAD = 1024
B = 1024
T = 200
N = B * T

NC = 2
NS = 16
NW = NC * NS
RW = N // NW
L = 16
NB = RW // L
CB = 8
NCB = VOCAB // CB


def _lse_body(table_ref, out_ref):
    t = table_ref[...]
    m = jnp.max(t, axis=1)
    s = jnp.sum(jnp.exp(t - m[:, None]), axis=1)
    out_ref[...] = m + jnp.log(s)


def _loss_body(part_ref, out_ref):
    s = jnp.sum(part_ref[...])
    out_ref[...] = jnp.full((1, 1), 1.0 / N, jnp.float32) * s


def _sc_body(table_f, x2, t2, lse, out_t, part,
             x_v, t_v, lse_v, trow, ob0, ob1, accd, os0, os1):
    wid = lax.axis_index("s") * NC + lax.axis_index("c")
    i0 = wid * RW
    pltpu.sync_copy(x2.at[wid], x_v)
    pltpu.sync_copy(t2.at[wid], t_v)
    pltpu.sync_copy(lse, lse_v)
    zero = jnp.zeros((L,), jnp.float32)

    def lse_batch(b, a):
        xv = x_v[pl.ds(b * L, L)]
        return a + plsc.load_gather(lse_v, [xv])

    lse_sum = plsc.parallel_loop(0, NB, carry=zero, unroll=2)(lse_batch)

    def fill(cb, obuf, ms):
        pltpu.sync_copy(table_f.at[pl.ds(cb * (CB * VPAD), CB * VPAD)], trow)

        def batch(b, m):
            acc = list(m)
            xv = x_v[pl.ds(b * L, L)]
            tv = t_v[pl.ds(b * L, L)]
            sv = tv - cb * CB
            for s in range(CB):
                gv = plsc.load_gather(trow, [xv + s * VPAD])
                obuf[s, pl.ds(b * L, L)] = gv
                acc[s % 4] = acc[s % 4] + jnp.where(sv == s, gv, 0.0)
            return tuple(acc)

        return plsc.parallel_loop(0, NB, carry=ms, unroll=2)(batch)

    def wb(cb, obuf, sem):
        return pltpu.async_copy(
            obuf, out_t.at[pl.ds(cb * CB, CB), pl.ds(i0, RW)], sem)

    def wb_wait(obuf, sem):
        pltpu.make_async_copy(
            obuf, out_t.at[pl.ds(0, CB), pl.ds(i0, RW)], sem).wait()

    def cpair(p, ms):
        cbA = 2 * p
        cbB = cbA + 1

        @pl.when(p > 0)
        def _():
            wb_wait(ob0, os0)

        ms = fill(cbA, ob0, ms)
        wb(cbA, ob0, os0)

        @pl.when(p > 0)
        def _():
            wb_wait(ob1, os1)

        ms = fill(cbB, ob1, ms)
        wb(cbB, ob1, os1)
        return ms

    ms = lax.fori_loop(0, NCB // 2, cpair, (zero, zero, zero, zero))
    wb_wait(ob0, os0)
    ms = fill(NCB - 1, ob0, ms)
    wb(NCB - 1, ob0, os0)
    wb_wait(ob0, os0)
    wb_wait(ob1, os1)

    accd[...] = lse_sum - (ms[0] + ms[1]) - (ms[2] + ms[3])
    pltpu.sync_copy(accd, part.at[wid])


def kernel(x, targets, table):
    x2 = x.reshape(NW, RW)
    t2 = targets.reshape(NW, RW)

    tpad = jnp.pad(table, ((0, VPAD - VOCAB), (0, VPAD - VOCAB)),
                   constant_values=-1e30)
    lse = pl.pallas_call(
        _lse_body,
        out_shape=jax.ShapeDtypeStruct((VPAD,), jnp.float32),
    )(tpad)

    table_f = tpad.T.reshape(-1)
    mesh = plsc.VectorSubcoreMesh(core_axis_name="c", subcore_axis_name="s")
    run = functools.partial(
        pl.kernel,
        out_type=[
            jax.ShapeDtypeStruct((VOCAB, N), jnp.float32),
            jax.ShapeDtypeStruct((NW, L), jnp.float32),
        ],
        mesh=mesh,
        compiler_params=pltpu.CompilerParams(
            needs_layout_passes=False, use_tc_tiling_on_sc=True),
        scratch_types=[
            pltpu.VMEM((RW,), jnp.int32),
            pltpu.VMEM((RW,), jnp.int32),
            pltpu.VMEM((VPAD,), jnp.float32),
            pltpu.VMEM((CB * VPAD,), jnp.float32),
            pltpu.VMEM((CB, RW), jnp.float32),
            pltpu.VMEM((CB, RW), jnp.float32),
            pltpu.VMEM((L,), jnp.float32),
            pltpu.SemaphoreType.DMA,
            pltpu.SemaphoreType.DMA,
        ],
    )(_sc_body)
    out_t, part = run(table_f, x2, t2, lse)
    logits = out_t.T

    loss2 = pl.pallas_call(
        _loss_body,
        out_shape=jax.ShapeDtypeStruct((1, 1), jnp.float32),
    )(part)
    return logits, loss2[0, 0]

# --- scband reference (transcript-rebuilt; emitter-appended) ---
"""Pipeline reference for scband-bigram-language-model-10316511445732 (READ-ONLY COPY).

The authoritative reference and input builder live on the scoring server;
editing this copy changes nothing except your own understanding.
"""

import jax, jax.numpy as jnp
import numpy as np

VOCAB = 1000
B = 1024
T = 200

def setup_inputs(seed: int = 0) -> dict:
    key = jax.random.key(seed)
    k1, k2, k3 = jax.random.split(key, 3)
    x = jax.random.randint(k1, (B, T), 0, VOCAB, dtype=jnp.int32)
    targets = jax.random.randint(k2, (B, T), 0, VOCAB, dtype=jnp.int32)
    # learned parameter: token embedding table of shape [vocab_size, vocab_size]
    table = jax.random.normal(k3, (VOCAB, VOCAB), dtype=jnp.float32)
    return {"x": x, "targets": targets, "table": table}

def reference(x, targets, table):
    # logits = token_embedding_table(x) -> gather rows of table
    logits = jnp.take(table, x, axis=0)  # [B, T, C]
    Bv, Tv, C = logits.shape
    logits = logits.reshape(Bv * Tv, C)
    t = targets.reshape(Bv * Tv)
    # cross entropy (mean reduction, matches torch F.cross_entropy)
    logp = jax.nn.log_softmax(logits, axis=-1)
    nll = -jnp.take_along_axis(logp, t[:, None], axis=1)[:, 0]
    loss = jnp.mean(nll)
    return (logits, loss)

if __name__ == "__main__":
    import jax
    _d = setup_inputs()
    print(jax.jit(kernel)(*tuple(_d.values())))

</pallas_src>

<mosaic_0001>
#map = affine_map<(d0, d1) -> (0)>
#map1 = affine_map<(d0, d1) -> (0, 0)>
module attributes {stable_mosaic.version = 14 : i64} {
  func.func @_sc_body(%arg0: i32, %arg1: i32, %arg2: memref<1048576xf32, #tpu.memory_space<hbm>>, %arg3: memref<32x6400xi32, #tpu.memory_space<hbm>>, %arg4: memref<32x6400xi32, #tpu.memory_space<hbm>>, %arg5: memref<1024xf32, #tpu.memory_space<hbm>>, %arg6: memref<1000x204800xf32, #tpu.memory_space<hbm>>, %arg7: memref<32x16xf32, #tpu.memory_space<hbm>>, %arg8: memref<6400xi32, #tpu.memory_space<vmem>>, %arg9: memref<6400xi32, #tpu.memory_space<vmem>>, %arg10: memref<1024xf32, #tpu.memory_space<vmem>>, %arg11: memref<8192xf32, #tpu.memory_space<vmem>>, %arg12: memref<8x6400xf32, #tpu.memory_space<vmem>>, %arg13: memref<8x6400xf32, #tpu.memory_space<vmem>>, %arg14: memref<16xf32, #tpu.memory_space<vmem>>, %arg15: memref<!tpu.dma_semaphore, #tpu.memory_space<semaphore_mem>>, %arg16: memref<!tpu.dma_semaphore, #tpu.memory_space<semaphore_mem>>) attributes {dimension_semantics = [#tpu.dimension_semantics<core_parallel>, #tpu.dimension_semantics<subcore_parallel>], iteration_bounds = array<i64: 2, 16>, scalar_prefetch = 0 : i64, scratch_operands = 9 : i64, tpu.core_type = #tpu.core_type<sc_vector_subcore>, window_params = [{transform_indices = #map}, {transform_indices = #map1}, {transform_indices = #map1}, {transform_indices = #map}, {transform_indices = #map1}, {transform_indices = #map1}]} {
    %mul3A = arith.constant 2 : i32
    %mul3A_0 = arith.muli %arg1, %mul3A : i32
    %add3A = arith.addi %mul3A_0, %arg0 : i32
    %mul3A_1 = arith.constant 6400 : i32
    %mul3A_2 = arith.muli %add3A, %mul3A_1 : i32
    "tpu.region"() ({
      %run_scoped3A = tpu.sem_alloc : memref<!tpu.dma_semaphore, #tpu.memory_space<semaphore_mem>>
      %dma_start3A_34 = arith.constant 0 : i32
      %dma_start3A_35 = tpu.memref_slice %arg3[%add3A, %dma_start3A_34] : memref<32x6400xi32, #tpu.memory_space<hbm>> -> memref<1x6400xi32, #tpu.memory_space<hbm>>
      %dma_start3A_36 = tpu.memref_squeeze %dma_start3A_35 : memref<1x6400xi32, #tpu.memory_space<hbm>> -> memref<6400xi32, #tpu.memory_space<hbm>>
      %dma_start3A_37 = arith.constant 0 : i32
      %dma_start3A_38 = tpu.memref_slice %arg3[%add3A, %dma_start3A_37] : memref<32x6400xi32, #tpu.memory_space<hbm>> -> memref<1x6400xi32, #tpu.memory_space<hbm>>
      %dma_start3A_39 = tpu.memref_squeeze %dma_start3A_38 : memref<1x6400xi32, #tpu.memory_space<hbm>> -> memref<6400xi32, #tpu.memory_space<hbm>>
      tpu.enqueue_dma source(%dma_start3A_39 : memref<6400xi32, #tpu.memory_space<hbm>>) target(%arg8 : memref<6400xi32, #tpu.memory_space<vmem>>) target_semaphore(%run_scoped3A : memref<!tpu.dma_semaphore, #tpu.memory_space<semaphore_mem>>)
      %dma_wait3A_40 = arith.constant 0 : i32
      %dma_wait3A_41 = tpu.memref_slice %arg3[%add3A, %dma_wait3A_40] : memref<32x6400xi32, #tpu.memory_space<hbm>> -> memref<1x6400xi32, #tpu.memory_space<hbm>>
      %dma_wait3A_42 = tpu.memref_squeeze %dma_wait3A_41 : memref<1x6400xi32, #tpu.memory_space<hbm>> -> memref<6400xi32, #tpu.memory_space<hbm>>
      %dma_wait3A_43 = arith.constant 0 : i32
      %dma_wait3A_44 = tpu.memref_slice %arg3[%add3A, %dma_wait3A_43] : memref<32x6400xi32, #tpu.memory_space<hbm>> -> memref<1x6400xi32, #tpu.memory_space<hbm>>
      %dma_wait3A_45 = tpu.memref_squeeze %dma_wait3A_44 : memref<1x6400xi32, #tpu.memory_space<hbm>> -> memref<6400xi32, #tpu.memory_space<hbm>>
      tpu.wait_dma2 semaphore(%run_scoped3A : memref<!tpu.dma_semaphore, #tpu.memory_space<semaphore_mem>>) src(%dma_wait3A_45 : memref<6400xi32, #tpu.memory_space<hbm>>) dst(%arg8 : memref<6400xi32, #tpu.memory_space<vmem>>)
      tpu.yield
    }) : () -> ()
    "tpu.region"() ({
      %run_scoped3A = tpu.sem_alloc : memref<!tpu.dma_semaphore, #tpu.memory_space<semaphore_mem>>
      %dma_start3A_34 = arith.constant 0 : i32
      %dma_start3A_35 = tpu.memref_slice %arg4[%add3A, %dma_start3A_34] : memref<32x6400xi32, #tpu.memory_space<hbm>> -> memref<1x6400xi32, #tpu.memory_space<hbm>>
      %dma_start3A_36 = tpu.memref_squeeze %dma_start3A_35 : memref<1x6400xi32, #tpu.memory_space<hbm>> -> memref<6400xi32, #tpu.memory_space<hbm>>
      %dma_start3A_37 = arith.constant 0 : i32
      %dma_start3A_38 = tpu.memref_slice %arg4[%add3A, %dma_start3A_37] : memref<32x6400xi32, #tpu.memory_space<hbm>> -> memref<1x6400xi32, #tpu.memory_space<hbm>>
      %dma_start3A_39 = tpu.memref_squeeze %dma_start3A_38 : memref<1x6400xi32, #tpu.memory_space<hbm>> -> memref<6400xi32, #tpu.memory_space<hbm>>
      tpu.enqueue_dma source(%dma_start3A_39 : memref<6400xi32, #tpu.memory_space<hbm>>) target(%arg9 : memref<6400xi32, #tpu.memory_space<vmem>>) target_semaphore(%run_scoped3A : memref<!tpu.dma_semaphore, #tpu.memory_space<semaphore_mem>>)
      %dma_wait3A_40 = arith.constant 0 : i32
      %dma_wait3A_41 = tpu.memref_slice %arg4[%add3A, %dma_wait3A_40] : memref<32x6400xi32, #tpu.memory_space<hbm>> -> memref<1x6400xi32, #tpu.memory_space<hbm>>
      %dma_wait3A_42 = tpu.memref_squeeze %dma_wait3A_41 : memref<1x6400xi32, #tpu.memory_space<hbm>> -> memref<6400xi32, #tpu.memory_space<hbm>>
      %dma_wait3A_43 = arith.constant 0 : i32
      %dma_wait3A_44 = tpu.memref_slice %arg4[%add3A, %dma_wait3A_43] : memref<32x6400xi32, #tpu.memory_space<hbm>> -> memref<1x6400xi32, #tpu.memory_space<hbm>>
      %dma_wait3A_45 = tpu.memref_squeeze %dma_wait3A_44 : memref<1x6400xi32, #tpu.memory_space<hbm>> -> memref<6400xi32, #tpu.memory_space<hbm>>
      tpu.wait_dma2 semaphore(%run_scoped3A : memref<!tpu.dma_semaphore, #tpu.memory_space<semaphore_mem>>) src(%dma_wait3A_45 : memref<6400xi32, #tpu.memory_space<hbm>>) dst(%arg9 : memref<6400xi32, #tpu.memory_space<vmem>>)
      tpu.yield
    }) : () -> ()
    "tpu.region"() ({
      %run_scoped3A = tpu.sem_alloc : memref<!tpu.dma_semaphore, #tpu.memory_space<semaphore_mem>>
      tpu.enqueue_dma source(%arg5 : memref<1024xf32, #tpu.memory_space<hbm>>) target(%arg10 : memref<1024xf32, #tpu.memory_space<vmem>>) target_semaphore(%run_scoped3A : memref<!tpu.dma_semaphore, #tpu.memory_space<semaphore_mem>>)
      tpu.wait_dma2 semaphore(%run_scoped3A : memref<!tpu.dma_semaphore, #tpu.memory_space<semaphore_mem>>) src(%arg5 : memref<1024xf32, #tpu.memory_space<hbm>>) dst(%arg10 : memref<1024xf32, #tpu.memory_space<vmem>>)
      tpu.yield
    }) : () -> ()
    %broadcast_in_dim3A = arith.constant 0.000000e+00 : f32
    %broadcast_in_dim3A_3 = vector.broadcast %broadcast_in_dim3A : f32 to vector<16xf32>
    %parallel_loop3A = arith.constant 0 : i32
    %parallel_loop3A_4 = arith.constant 400 : i32
    %parallel_loop3A_5 = arith.constant 1 : i32
    %parallel_loop3A_6 = scf.for %parallel_loop3A_34 = %parallel_loop3A to %parallel_loop3A_4 step %parallel_loop3A_5 iter_args(%parallel_loop3A_35 = %broadcast_in_dim3A_3) -> (vector<16xf32>)  : i32 {
      %parallel_loop3A_36 = arith.constant 16 : i32
      %parallel_loop3A_37 = arith.muli %parallel_loop3A_34, %parallel_loop3A_36 : i32
      %parallel_loop3A_38 = arith.index_cast %parallel_loop3A_37 : i32 to index
      %parallel_loop3A_39 = tpu.vector_load %arg8[%parallel_loop3A_38] {strides = array<i32>} : memref<6400xi32, #tpu.memory_space<vmem>>, vector<16xi32>,
      %parallel_loop3A_40 = tpu.vector_load_idx %arg10[%parallel_loop3A_39] : memref<1024xf32, #tpu.memory_space<vmem>>[vector<16xi32>], vector<16xf32>,
      %parallel_loop3A_41 = arith.addf %parallel_loop3A_35, %parallel_loop3A_40 : vector<16xf32>
      scf.yield %parallel_loop3A_41 : vector<16xf32>
    } {sc.loop_unroll_factor = 2 : i64, sc.parallel_access}
    %scan3A = arith.constant 0 : i32
    %scan3A_7 = arith.constant 62 : i32
    %scan3A_8 = arith.addi %scan3A, %scan3A_7 : i32
    %scan3A_9 = arith.constant 1 : i32
    %scan3A_10:4 = scf.for %scan3A_34 = %scan3A to %scan3A_8 step %scan3A_9 iter_args(%scan3A_35 = %broadcast_in_dim3A_3, %scan3A_36 = %broadcast_in_dim3A_3, %scan3A_37 = %broadcast_in_dim3A_3, %scan3A_38 = %broadcast_in_dim3A_3) -> (vector<16xf32>, vector<16xf32>, vector<16xf32>, vector<16xf32>)  : i32 {
      %mul3A_39 = arith.constant 2 : i32
      %mul3A_40 = arith.muli %mul3A_39, %scan3A_34 : i32
      %add3A_41 = arith.constant 1 : i32
      %add3A_42 = arith.addi %mul3A_40, %add3A_41 : i32
      %gt3A = arith.constant 0 : i32
      %gt3A_43 = arith.cmpi sgt, %scan3A_34, %gt3A : i32
      %convert_element_type3A = arith.extui %gt3A_43 : i1 to i32
      %cond3A = arith.constant 0 : i32
      %cond3A_44 = arith.cmpi ne, %convert_element_type3A, %cond3A : i32
      scf.if %cond3A_44 {
        %dma_wait3A_70 = arith.constant 0 : i32
        %dma_wait3A_71 = tpu.memref_slice %arg6[%dma_wait3A_70, %mul3A_2] : memref<1000x204800xf32, #tpu.memory_space<hbm>> -> memref<8x6400xf32, #tpu.memory_space<hbm>>
        %dma_wait3A_72 = arith.constant 0 : i32
        %dma_wait3A_73 = tpu.memref_slice %arg6[%dma_wait3A_72, %mul3A_2] : memref<1000x204800xf32, #tpu.memory_space<hbm>> -> memref<8x6400xf32, #tpu.memory_space<hbm>>
        tpu.wait_dma2 semaphore(%arg15 : memref<!tpu.dma_semaphore, #tpu.memory_space<semaphore_mem>>) src(%arg12 : memref<8x6400xf32, #tpu.memory_space<vmem>>) dst(%dma_wait3A_73 : memref<8x6400xf32, #tpu.memory_space<hbm>>)
      } else {
      }
      %mul3A_45 = arith.constant 8192 : i32
      %mul3A_46 = arith.muli %mul3A_40, %mul3A_45 : i32
      "tpu.region"() ({
        %run_scoped3A = tpu.sem_alloc : memref<!tpu.dma_semaphore, #tpu.memory_space<semaphore_mem>>
        %dma_start3A_70 = tpu.memref_slice %arg2[%mul3A_46] : memref<1048576xf32, #tpu.memory_space<hbm>> -> memref<8192xf32, #tpu.memory_space<hbm>>
        %dma_start3A_71 = tpu.memref_slice %arg2[%mul3A_46] : memref<1048576xf32, #tpu.memory_space<hbm>> -> memref<8192xf32, #tpu.memory_space<hbm>>
        tpu.enqueue_dma source(%dma_start3A_71 : memref<8192xf32, #tpu.memory_space<hbm>>) target(%arg11 : memref<8192xf32, #tpu.memory_space<vmem>>) target_semaphore(%run_scoped3A : memref<!tpu.dma_semaphore, #tpu.memory_space<semaphore_mem>>)
        %dma_wait3A_72 = tpu.memref_slice %arg2[%mul3A_46] : memref<1048576xf32, #tpu.memory_space<hbm>> -> memref<8192xf32, #tpu.memory_space<hbm>>
        %dma_wait3A_73 = tpu.memref_slice %arg2[%mul3A_46] : memref<1048576xf32, #tpu.memory_space<hbm>> -> memref<8192xf32, #tpu.memory_space<hbm>>
        tpu.wait_dma2 semaphore(%run_scoped3A : memref<!tpu.dma_semaphore, #tpu.memory_space<semaphore_mem>>) src(%dma_wait3A_73 : memref<8192xf32, #tpu.memory_space<hbm>>) dst(%arg11 : memref<8192xf32, #tpu.memory_space<vmem>>)
        tpu.yield
      }) : () -> ()
      %parallel_loop3A_47 = arith.constant 0 : i32
      %parallel_loop3A_48 = arith.constant 400 : i32
      %parallel_loop3A_49 = arith.constant 1 : i32
      %parallel_loop3A_50:4 = scf.for %parallel_loop3A_70 = %parallel_loop3A_47 to %parallel_loop3A_48 step %parallel_loop3A_49 iter_args(%parallel_loop3A_71 = %scan3A_35, %parallel_loop3A_72 = %scan3A_36, %parallel_loop3A_73 = %scan3A_37, %parallel_loop3A_74 = %scan3A_38) -> (vector<16xf32>, vector<16xf32>, vector<16xf32>, vector<16xf32>)  : i32 {
        %parallel_loop3A_75 = arith.constant 16 : i32
        %parallel_loop3A_76 = arith.muli %parallel_loop3A_70, %parallel_loop3A_75 : i32
        %parallel_loop3A_77 = arith.index_cast %parallel_loop3A_76 : i32 to index
        %parallel_loop3A_78 = tpu.vector_load %arg8[%parallel_loop3A_77] {strides = array<i32>} : memref<6400xi32, #tpu.memory_space<vmem>>, vector<16xi32>,
        %parallel_loop3A_79 = arith.constant 16 : i32
        %parallel_loop3A_80 = arith.muli %parallel_loop3A_70, %parallel_loop3A_79 : i32
        %parallel_loop3A_81 = arith.index_cast %parallel_loop3A_80 : i32 to index
        %parallel_loop3A_82 = tpu.vector_load %arg9[%parallel_loop3A_81] {strides = array<i32>} : memref<6400xi32, #tpu.memory_space<vmem>>, vector<16xi32>,
        %parallel_loop3A_83 = arith.constant 8 : i32
        %parallel_loop3A_84 = arith.muli %mul3A_40, %parallel_loop3A_83 : i32
        %parallel_loop3A_85 = vector.broadcast %parallel_loop3A_84 : i32 to vector<16xi32>
        %parallel_loop3A_86 = arith.subi %parallel_loop3A_82, %parallel_loop3A_85 : vector<16xi32>
        %parallel_loop3A_87 = arith.constant 0 : i32
        %parallel_loop3A_88 = vector.broadcast %parallel_loop3A_87 : i32 to vector<16xi32>
        %parallel_loop3A_89 = arith.addi %parallel_loop3A_78, %parallel_loop3A_88 : vector<16xi32>
        %parallel_loop3A_90 = tpu.vector_load_idx %arg11[%parallel_loop3A_89] : memref<8192xf32, #tpu.memory_space<vmem>>[vector<16xi32>], vector<16xf32>,
        %parallel_loop3A_91 = arith.constant 16 : i32
        %parallel_loop3A_92 = arith.muli %parallel_loop3A_70, %parallel_loop3A_91 : i32
        %parallel_loop3A_93 = arith.constant 0 : i32
        %parallel_loop3A_94 = arith.index_cast %parallel_loop3A_93 : i32 to index
        %parallel_loop3A_95 = arith.index_cast %parallel_loop3A_92 : i32 to index
        %parallel_loop3A_96 = tpu.vector_load %arg12[%parallel_loop3A_94, %parallel_loop3A_95] {strides = array<i32>} : memref<8x6400xf32, #tpu.memory_space<vmem>>, vector<16xf32>,
        tpu.vector_store %arg12[%parallel_loop3A_94, %parallel_loop3A_95], %parallel_loop3A_90 {strides = array<i32>} : memref<8x6400xf32, #tpu.memory_space<vmem>>, vector<16xf32>,
        %parallel_loop3A_97 = arith.constant 0 : i32
        %parallel_loop3A_98 = vector.broadcast %parallel_loop3A_97 : i32 to vector<16xi32>
        %parallel_loop3A_99 = arith.cmpi eq, %parallel_loop3A_86, %parallel_loop3A_98 : vector<16xi32>
        %parallel_loop3A_100 = arith.constant 0.000000e+00 : f32
        %parallel_loop3A_101 = vector.broadcast %parallel_loop3A_100 : f32 to vector<16xf32>
        %parallel_loop3A_102 = arith.select %parallel_loop3A_99, %parallel_loop3A_90, %parallel_loop3A_101 : vector<16xi1>, vector<16xf32>
        %parallel_loop3A_103 = arith.addf %parallel_loop3A_71, %parallel_loop3A_102 : vector<16xf32>
        %parallel_loop3A_104 = arith.constant 1024 : i32
        %parallel_loop3A_105 = vector.broadcast %parallel_loop3A_104 : i32 to vector<16xi32>
        %parallel_loop3A_106 = arith.addi %parallel_loop3A_78, %parallel_loop3A_105 : vector<16xi32>
        %parallel_loop3A_107 = tpu.vector_load_idx %arg11[%parallel_loop3A_106] : memref<8192xf32, #tpu.memory_space<vmem>>[vector<16xi32>], vector<16xf32>,
        %parallel_loop3A_108 = arith.constant 16 : i32
        %parallel_loop3A_109 = arith.muli %parallel_loop3A_70, %parallel_loop3A_108 : i32
        %parallel_loop3A_110 = arith.constant 1 : i32
        %parallel_loop3A_111 = arith.index_cast %parallel_loop3A_110 : i32 to index
        %parallel_loop3A_112 = arith.index_cast %parallel_loop3A_109 : i32 to index
        %parallel_loop3A_113 = tpu.vector_load %arg12[%parallel_loop3A_111, %parallel_loop3A_112] {strides = array<i32>} : memref<8x6400xf32, #tpu.memory_space<vmem>>, vector<16xf32>,
        tpu.vector_store %arg12[%parallel_loop3A_111, %parallel_loop3A_112], %parallel_loop3A_107 {strides = array<i32>} : memref<8x6400xf32, #tpu.memory_space<vmem>>, vector<16xf32>,
        %parallel_loop3A_114 = arith.constant 1 : i32
        %parallel_loop3A_115 = vector.broadcast %parallel_loop3A_114 : i32 to vector<16xi32>
        %parallel_loop3A_116 = arith.cmpi eq, %parallel_loop3A_86, %parallel_loop3A_115 : vector<16xi32>
        %parallel_loop3A_117 = arith.constant 0.000000e+00 : f32
        %parallel_loop3A_118 = vector.broadcast %parallel_loop3A_117 : f32 to vector<16xf32>
        %parallel_loop3A_119 = arith.select %parallel_loop3A_116, %parallel_loop3A_107, %parallel_loop3A_118 : vector<16xi1>, vector<16xf32>
        %parallel_loop3A_120 = arith.addf %parallel_loop3A_72, %parallel_loop3A_119 : vector<16xf32>
        %parallel_loop3A_121 = arith.constant 2048 : i32
        %parallel_loop3A_122 = vector.broadcast %parallel_loop3A_121 : i32 to vector<16xi32>
        %parallel_loop3A_123 = arith.addi %parallel_loop3A_78, %parallel_loop3A_122 : vector<16xi32>
        %parallel_loop3A_124 = tpu.vector_load_idx %arg11[%parallel_loop3A_123] : memref<8192xf32, #tpu.memory_space<vmem>>[vector<16xi32>], vector<16xf32>,
        %parallel_loop3A_125 = arith.constant 16 : i32
        %parallel_loop3A_126 = arith.muli %parallel_loop3A_70, %parallel_loop3A_125 : i32
        %parallel_loop3A_127 = arith.constant 2 : i32
        %parallel_loop3A_128 = arith.index_cast %parallel_loop3A_127 : i32 to index
        %parallel_loop3A_129 = arith.index_cast %parallel_loop3A_126 : i32 to index
        %parallel_loop3A_130 = tpu.vector_load %arg12[%parallel_loop3A_128, %parallel_loop3A_129] {strides = array<i32>} : memref<8x6400xf32, #tpu.memory_space<vmem>>, vector<16xf32>,
        tpu.vector_store %arg12[%parallel_loop3A_128, %parallel_loop3A_129], %parallel_loop3A_124 {strides = array<i32>} : memref<8x6400xf32, #tpu.memory_space<vmem>>, vector<16xf32>,
        %parallel_loop3A_131 = arith.constant 2 : i32
        %parallel_loop3A_132 = vector.broadcast %parallel_loop3A_131 : i32 to vector<16xi32>
        %parallel_loop3A_133 = arith.cmpi eq, %parallel_loop3A_86, %parallel_loop3A_132 : vector<16xi32>
        %parallel_loop3A_134 = arith.constant 0.000000e+00 : f32
        %parallel_loop3A_135 = vector.broadcast %parallel_loop3A_134 : f32 to vector<16xf32>
        %parallel_loop3A_136 = arith.select %parallel_loop3A_133, %parallel_loop3A_124, %parallel_loop3A_135 : vector<16xi1>, vector<16xf32>
        %parallel_loop3A_137 = arith.addf %parallel_loop3A_73, %parallel_loop3A_136 : vector<16xf32>
        %parallel_loop3A_138 = arith.constant 3072 : i32
        %parallel_loop3A_139 = vector.broadcast %parallel_loop3A_138 : i32 to vector<16xi32>
        %parallel_loop3A_140 = arith.addi %parallel_loop3A_78, %parallel_loop3A_139 : vector<16xi32>
        %parallel_loop3A_141 = tpu.vector_load_idx %arg11[%parallel_loop3A_140] : memref<8192xf32, #tpu.memory_space<vmem>>[vector<16xi32>], vector<16xf32>,
        %parallel_loop3A_142 = arith.constant 16 : i32
        %parallel_loop3A_143 = arith.muli %parallel_loop3A_70, %parallel_loop3A_142 : i32
        %parallel_loop3A_144 = arith.constant 3 : i32
        %parallel_loop3A_145 = arith.index_cast %parallel_loop3A_144 : i32 to index
        %parallel_loop3A_146 = arith.index_cast %parallel_loop3A_143 : i32 to index
        %parallel_loop3A_147 = tpu.vector_load %arg12[%parallel_loop3A_145, %parallel_loop3A_146] {strides = array<i32>} : memref<8x6400xf32, #tpu.memory_space<vmem>>, vector<16xf32>,
        tpu.vector_store %arg12[%parallel_loop3A_145, %parallel_loop3A_146], %parallel_loop3A_141 {strides = array<i32>} : memref<8x6400xf32, #tpu.memory_space<vmem>>, vector<16xf32>,
        %parallel_loop3A_148 = arith.constant 3 : i32
        %parallel_loop3A_149 = vector.broadcast %parallel_loop3A_148 : i32 to vector<16xi32>
        %parallel_loop3A_150 = arith.cmpi eq, %parallel_loop3A_86, %parallel_loop3A_149 : vector<16xi32>
        %parallel_loop3A_151 = arith.constant 0.000000e+00 : f32
        %parallel_loop3A_152 = vector.broadcast %parallel_loop3A_151 : f32 to vector<16xf32>
        %parallel_loop3A_153 = arith.select %parallel_loop3A_150, %parallel_loop3A_141, %parallel_loop3A_152 : vector<16xi1>, vector<16xf32>
        %parallel_loop3A_154 = arith.addf %parallel_loop3A_74, %parallel_loop3A_153 : vector<16xf32>
        %parallel_loop3A_155 = arith.constant 4096 : i32
        %parallel_loop3A_156 = vector.broadcast %parallel_loop3A_155 : i32 to vector<16xi32>
        %parallel_loop3A_157 = arith.addi %parallel_loop3A_78, %parallel_loop3A_156 : vector<16xi32>
        %parallel_loop3A_158 = tpu.vector_load_idx %arg11[%parallel_loop3A_157] : memref<8192xf32, #tpu.memory_space<vmem>>[vector<16xi32>], vector<16xf32>,
        %parallel_loop3A_159 = arith.constant 16 : i32
        %parallel_loop3A_160 = arith.muli %parallel_loop3A_70, %parallel_loop3A_159 : i32
        %parallel_loop3A_161 = arith.constant 4 : i32
        %parallel_loop3A_162 = arith.index_cast %parallel_loop3A_161 : i32 to index
        %parallel_loop3A_163 = arith.index_cast %parallel_loop3A_160 : i32 to index
        %parallel_loop3A_164 = tpu.vector_load %arg12[%parallel_loop3A_162, %parallel_loop3A_163] {strides = array<i32>} : memref<8x6400xf32, #tpu.memory_space<vmem>>, vector<16xf32>,
        tpu.vector_store %arg12[%parallel_loop3A_162, %parallel_loop3A_163], %parallel_loop3A_158 {strides = array<i32>} : memref<8x6400xf32, #tpu.memory_space<vmem>>, vector<16xf32>,
        %parallel_loop3A_165 = arith.constant 4 : i32
        %parallel_loop3A_166 = vector.broadcast %parallel_loop3A_165 : i32 to vector<16xi32>
        %parallel_loop3A_167 = arith.cmpi eq, %parallel_loop3A_86, %parallel_loop3A_166 : vector<16xi32>
        %parallel_loop3A_168 = arith.constant 0.000000e+00 : f32
        %parallel_loop3A_169 = vector.broadcast %parallel_loop3A_168 : f32 to vector<16xf32>
        %parallel_loop3A_170 = arith.select %parallel_loop3A_167, %parallel_loop3A_158, %parallel_loop3A_169 : vector<16xi1>, vector<16xf32>
        %parallel_loop3A_171 = arith.addf %parallel_loop3A_103, %parallel_loop3A_170 : vector<16xf32>
        %parallel_loop3A_172 = arith.constant 5120 : i32
        %parallel_loop3A_173 = vector.broadcast %parallel_loop3A_172 : i32 to vector<16xi32>
        %parallel_loop3A_174 = arith.addi %parallel_loop3A_78, %parallel_loop3A_173 : vector<16xi32>
        %parallel_loop3A_175 = tpu.vector_load_idx %arg11[%parallel_loop3A_174] : memref<8192xf32, #tpu.memory_space<vmem>>[vector<16xi32>], vector<16xf32>,
        %parallel_loop3A_176 = arith.constant 16 : i32
        %parallel_loop3A_177 = arith.muli %parallel_loop3A_70, %parallel_loop3A_176 : i32
        %parallel_loop3A_178 = arith.constant 5 : i32
        %parallel_loop3A_179 = arith.index_cast %parallel_loop3A_178 : i32 to index
        %parallel_loop3A_180 = arith.index_cast %parallel_loop3A_177 : i32 to index
        %parallel_loop3A_181 = tpu.vector_load %arg12[%parallel_loop3A_179, %parallel_loop3A_180] {strides = array<i32>} : memref<8x6400xf32, #tpu.memory_space<vmem>>, vector<16xf32>,
        tpu.vector_store %arg12[%parallel_loop3A_179, %parallel_loop3A_180], %parallel_loop3A_175 {strides = array<i32>} : memref<8x6400xf32, #tpu.memory_space<vmem>>, vector<16xf32>,
        %parallel_loop3A_182 = arith.constant 5 : i32
        %parallel_loop3A_183 = vector.broadcast %parallel_loop3A_182 : i32 to vector<16xi32>
        %parallel_loop3A_184 = arith.cmpi eq, %parallel_loop3A_86, %parallel_loop3A_183 : vector<16xi32>
        %parallel_loop3A_185 = arith.constant 0.000000e+00 : f32
        %parallel_loop3A_186 = vector.broadcast %parallel_loop3A_185 : f32 to vector<16xf32>
        %parallel_loop3A_187 = arith.select %parallel_loop3A_184, %parallel_loop3A_175, %parallel_loop3A_186 : vector<16xi1>, vector<16xf32>
        %parallel_loop3A_188 = arith.addf %parallel_loop3A_120, %parallel_loop3A_187 : vector<16xf32>
        %parallel_loop3A_189 = arith.constant 6144 : i32
        %parallel_loop3A_190 = vector.broadcast %parallel_loop3A_189 : i32 to vector<16xi32>
        %parallel_loop3A_191 = arith.addi %parallel_loop3A_78, %parallel_loop3A_190 : vector<16xi32>
        %parallel_loop3A_192 = tpu.vector_load_idx %arg11[%parallel_loop3A_191] : memref<8192xf32, #tpu.memory_space<vmem>>[vector<16xi32>], vector<16xf32>,
        %parallel_loop3A_193 = arith.constant 16 : i32
        %parallel_loop3A_194 = arith.muli %parallel_loop3A_70, %parallel_loop3A_193 : i32
        %parallel_loop3A_195 = arith.constant 6 : i32
        %parallel_loop3A_196 = arith.index_cast %parallel_loop3A_195 : i32 to index
        %parallel_loop3A_197 = arith.index_cast %parallel_loop3A_194 : i32 to index
        %parallel_loop3A_198 = tpu.vector_load %arg12[%parallel_loop3A_196, %parallel_loop3A_197] {strides = array<i32>} : memref<8x6400xf32, #tpu.memory_space<vmem>>, vector<16xf32>,
        tpu.vector_store %arg12[%parallel_loop3A_196, %parallel_loop3A_197], %parallel_loop3A_192 {strides = array<i32>} : memref<8x6400xf32, #tpu.memory_space<vmem>>, vector<16xf32>,
        %parallel_loop3A_199 = arith.constant 6 : i32
        %parallel_loop3A_200 = vector.broadcast %parallel_loop3A_199 : i32 to vector<16xi32>
        %parallel_loop3A_201 = arith.cmpi eq, %parallel_loop3A_86, %parallel_loop3A_200 : vector<16xi32>
        %parallel_loop3A_202 = arith.constant 0.000000e+00 : f32
        %parallel_loop3A_203 = vector.broadcast %parallel_loop3A_202 : f32 to vector<16xf32>
        %parallel_loop3A_204 = arith.select %parallel_loop3A_201, %parallel_loop3A_192, %parallel_loop3A_203 : vector<16xi1>, vector<16xf32>
        %parallel_loop3A_205 = arith.addf %parallel_loop3A_137, %parallel_loop3A_204 : vector<16xf32>
        %parallel_loop3A_206 = arith.constant 7168 : i32
        %parallel_loop3A_207 = vector.broadcast %parallel_loop3A_206 : i32 to vector<16xi32>
        %parallel_loop3A_208 = arith.addi %parallel_loop3A_78, %parallel_loop3A_207 : vector<16xi32>
        %parallel_loop3A_209 = tpu.vector_load_idx %arg11[%parallel_loop3A_208] : memref<8192xf32, #tpu.memory_space<vmem>>[vector<16xi32>], vector<16xf32>,
        %parallel_loop3A_210 = arith.constant 16 : i32
        %parallel_loop3A_211 = arith.muli %parallel_loop3A_70, %parallel_loop3A_210 : i32
        %parallel_loop3A_212 = arith.constant 7 : i32
        %parallel_loop3A_213 = arith.index_cast %parallel_loop3A_212 : i32 to index
        %parallel_loop3A_214 = arith.index_cast %parallel_loop3A_211 : i32 to index
        %parallel_loop3A_215 = tpu.vector_load %arg12[%parallel_loop3A_213, %parallel_loop3A_214] {strides = array<i32>} : memref<8x6400xf32, #tpu.memory_space<vmem>>, vector<16xf32>,
        tpu.vector_store %arg12[%parallel_loop3A_213, %parallel_loop3A_214], %parallel_loop3A_209 {strides = array<i32>} : memref<8x6400xf32, #tpu.memory_space<vmem>>, vector<16xf32>,
        %parallel_loop3A_216 = arith.constant 7 : i32
        %parallel_loop3A_217 = vector.broadcast %parallel_loop3A_216 : i32 to vector<16xi32>
        %parallel_loop3A_218 = arith.cmpi eq, %parallel_loop3A_86, %parallel_loop3A_217 : vector<16xi32>
        %parallel_loop3A_219 = arith.constant 0.000000e+00 : f32
        %parallel_loop3A_220 = vector.broadcast %parallel_loop3A_219 : f32 to vector<16xf32>
        %parallel_loop3A_221 = arith.select %parallel_loop3A_218, %parallel_loop3A_209, %parallel_loop3A_220 : vector<16xi1>, vector<16xf32>
        %parallel_loop3A_222 = arith.addf %parallel_loop3A_154, %parallel_loop3A_221 : vector<16xf32>
        scf.yield %parallel_loop3A_171, %parallel_loop3A_188, %parallel_loop3A_205, %parallel_loop3A_222 : vector<16xf32>, vector<16xf32>, vector<16xf32>, vector<16xf32>
      } {sc.loop_unroll_factor = 2 : i64, sc.parallel_access}
      %mul3A_51 = arith.constant 8 : i32
      %mul3A_52 = arith.muli %mul3A_40, %mul3A_51 : i32
      %dma_start3A_53 = tpu.memref_slice %arg6[%mul3A_52, %mul3A_2] : memref<1000x204800xf32, #tpu.memory_space<hbm>> -> memref<8x6400xf32, #tpu.memory_space<hbm>>
      %dma_start3A_54 = tpu.memref_slice %arg6[%mul3A_52, %mul3A_2] : memref<1000x204800xf32, #tpu.memory_space<hbm>> -> memref<8x6400xf32, #tpu.memory_space<hbm>>
      tpu.enqueue_dma source(%arg12 : memref<8x6400xf32, #tpu.memory_space<vmem>>) target(%dma_start3A_54 : memref<8x6400xf32, #tpu.memory_space<hbm>>) target_semaphore(%arg15 : memref<!tpu.dma_semaphore, #tpu.memory_space<semaphore_mem>>)
      %gt3A_55 = arith.constant 0 : i32
      %gt3A_56 = arith.cmpi sgt, %scan3A_34, %gt3A_55 : i32
      %convert_element_type3A_57 = arith.extui %gt3A_56 : i1 to i32
      %cond3A_58 = arith.constant 0 : i32
      %cond3A_59 = arith.cmpi ne, %convert_element_type3A_57, %cond3A_58 : i32
      scf.if %cond3A_59 {
        %dma_wait3A_70 = arith.constant 0 : i32
        %dma_wait3A_71 = tpu.memref_slice %arg6[%dma_wait3A_70, %mul3A_2] : memref<1000x204800xf32, #tpu.memory_space<hbm>> -> memref<8x6400xf32, #tpu.memory_space<hbm>>
        %dma_wait3A_72 = arith.constant 0 : i32
        %dma_wait3A_73 = tpu.memref_slice %arg6[%dma_wait3A_72, %mul3A_2] : memref<1000x204800xf32, #tpu.memory_space<hbm>> -> memref<8x6400xf32, #tpu.memory_space<hbm>>
        tpu.wait_dma2 semaphore(%arg16 : memref<!tpu.dma_semaphore, #tpu.memory_space<semaphore_mem>>) src(%arg13 : memref<8x6400xf32, #tpu.memory_space<vmem>>) dst(%dma_wait3A_73 : memref<8x6400xf32, #tpu.memory_space<hbm>>)
      } else {
      }
      %mul3A_60 = arith.constant 8192 : i32
      %mul3A_61 = arith.muli %add3A_42, %mul3A_60 : i32
      "tpu.region"() ({
        %run_scoped3A = tpu.sem_alloc : memref<!tpu.dma_semaphore, #tpu.memory_space<semaphore_mem>>
        %dma_start3A_70 = tpu.memref_slice %arg2[%mul3A_61] : memref<1048576xf32, #tpu.memory_space<hbm>> -> memref<8192xf32, #tpu.memory_space<hbm>>
        %dma_start3A_71 = tpu.memref_slice %arg2[%mul3A_61] : memref<1048576xf32, #tpu.memory_space<hbm>> -> memref<8192xf32, #tpu.memory_space<hbm>>
        tpu.enqueue_dma source(%dma_start3A_71 : memref<8192xf32, #tpu.memory_space<hbm>>) target(%arg11 : memref<8192xf32, #tpu.memory_space<vmem>>) target_semaphore(%run_scoped3A : memref<!tpu.dma_semaphore, #tpu.memory_space<semaphore_mem>>)
        %dma_wait3A_72 = tpu.memref_slice %arg2[%mul3A_61] : memref<1048576xf32, #tpu.memory_space<hbm>> -> memref<8192xf32, #tpu.memory_space<hbm>>
        %dma_wait3A_73 = tpu.memref_slice %arg2[%mul3A_61] : memref<1048576xf32, #tpu.memory_space<hbm>> -> memref<8192xf32, #tpu.memory_space<hbm>>
        tpu.wait_dma2 semaphore(%run_scoped3A : memref<!tpu.dma_semaphore, #tpu.memory_space<semaphore_mem>>) src(%dma_wait3A_73 : memref<8192xf32, #tpu.memory_space<hbm>>) dst(%arg11 : memref<8192xf32, #tpu.memory_space<vmem>>)
        tpu.yield
      }) : () -> ()
      %parallel_loop3A_62 = arith.constant 0 : i32
      %parallel_loop3A_63 = arith.constant 400 : i32
      %parallel_loop3A_64 = arith.constant 1 : i32
      %parallel_loop3A_65:4 = scf.for %parallel_loop3A_70 = %parallel_loop3A_62 to %parallel_loop3A_63 step %parallel_loop3A_64 iter_args(%parallel_loop3A_71 = %parallel_loop3A_50#0, %parallel_loop3A_72 = %parallel_loop3A_50#1, %parallel_loop3A_73 = %parallel_loop3A_50#2, %parallel_loop3A_74 = %parallel_loop3A_50#3) -> (vector<16xf32>, vector<16xf32>, vector<16xf32>, vector<16xf32>)  : i32 {
        %parallel_loop3A_75 = arith.constant 16 : i32
        %parallel_loop3A_76 = arith.muli %parallel_loop3A_70, %parallel_loop3A_75 : i32
        %parallel_loop3A_77 = arith.index_cast %parallel_loop3A_76 : i32 to index
        %parallel_loop3A_78 = tpu.vector_load %arg8[%parallel_loop3A_77] {strides = array<i32>} : memref<6400xi32, #tpu.memory_space<vmem>>, vector<16xi32>,
        %parallel_loop3A_79 = arith.constant 16 : i32
        %parallel_loop3A_80 = arith.muli %parallel_loop3A_70, %parallel_loop3A_79 : i32
        %parallel_loop3A_81 = arith.index_cast %parallel_loop3A_80 : i32 to index
        %parallel_loop3A_82 = tpu.vector_load %arg9[%parallel_loop3A_81] {strides = array<i32>} : memref<6400xi32, #tpu.memory_space<vmem>>, vector<16xi32>,
        %parallel_loop3A_83 = arith.constant 8 : i32
        %parallel_loop3A_84 = arith.muli %add3A_42, %parallel_loop3A_83 : i32
        %parallel_loop3A_85 = vector.broadcast %parallel_loop3A_84 : i32 to vector<16xi32>
        %parallel_loop3A_86 = arith.subi %parallel_loop3A_82, %parallel_loop3A_85 : vector<16xi32>
        %parallel_loop3A_87 = arith.constant 0 : i32
        %parallel_loop3A_88 = vector.broadcast %parallel_loop3A_87 : i32 to vector<16xi32>
        %parallel_loop3A_89 = arith.addi %parallel_loop3A_78, %parallel_loop3A_88 : vector<16xi32>
        %parallel_loop3A_90 = tpu.vector_load_idx %arg11[%parallel_loop3A_89] : memref<8192xf32, #tpu.memory_space<vmem>>[vector<16xi32>], vector<16xf32>,
        %parallel_loop3A_91 = arith.constant 16 : i32
        %parallel_loop3A_92 = arith.muli %parallel_loop3A_70, %parallel_loop3A_91 : i32
        %parallel_loop3A_93 = arith.constant 0 : i32
        %parallel_loop3A_94 = arith.index_cast %parallel_loop3A_93 : i32 to index
        %parallel_loop3A_95 = arith.index_cast %parallel_loop3A_92 : i32 to index
        %parallel_loop3A_96 = tpu.vector_load %arg13[%parallel_loop3A_94, %parallel_loop3A_95] {strides = array<i32>} : memref<8x6400xf32, #tpu.memory_space<vmem>>, vector<16xf32>,
        tpu.vector_store %arg13[%parallel_loop3A_94, %parallel_loop3A_95], %parallel_loop3A_90 {strides = array<i32>} : memref<8x6400xf32, #tpu.memory_space<vmem>>, vector<16xf32>,
        %parallel_loop3A_97 = arith.constant 0 : i32
        %parallel_loop3A_98 = vector.broadcast %parallel_loop3A_97 : i32 to vector<16xi32>
        %parallel_loop3A_99 = arith.cmpi eq, %parallel_loop3A_86, %parallel_loop3A_98 : vector<16xi32>
        %parallel_loop3A_100 = arith.constant 0.000000e+00 : f32
        %parallel_loop3A_101 = vector.broadcast %parallel_loop3A_100 : f32 to vector<16xf32>
        %parallel_loop3A_102 = arith.select %parallel_loop3A_99, %parallel_loop3A_90, %parallel_loop3A_101 : vector<16xi1>, vector<16xf32>
        %parallel_loop3A_103 = arith.addf %parallel_loop3A_71, %parallel_loop3A_102 : vector<16xf32>
        %parallel_loop3A_104 = arith.constant 1024 : i32
        %parallel_loop3A_105 = vector.broadcast %parallel_loop3A_104 : i32 to vector<16xi32>
        %parallel_loop3A_106 = arith.addi %parallel_loop3A_78, %parallel_loop3A_105 : vector<16xi32>
        %parallel_loop3A_107 = tpu.vector_load_idx %arg11[%parallel_loop3A_106] : memref<8192xf32, #tpu.memory_space<vmem>>[vector<16xi32>], vector<16xf32>,
        %parallel_loop3A_108 = arith.constant 16 : i32
        %parallel_loop3A_109 = arith.muli %parallel_loop3A_70, %parallel_loop3A_108 : i32
        %parallel_loop3A_110 = arith.constant 1 : i32
        %parallel_loop3A_111 = arith.index_cast %parallel_loop3A_110 : i32 to index
        %parallel_loop3A_112 = arith.index_cast %parallel_loop3A_109 : i32 to index
        %parallel_loop3A_113 = tpu.vector_load %arg13[%parallel_loop3A_111, %parallel_loop3A_112] {strides = array<i32>} : memref<8x6400xf32, #tpu.memory_space<vmem>>, vector<16xf32>,
        tpu.vector_store %arg13[%parallel_loop3A_111, %parallel_loop3A_112], %parallel_loop3A_107 {strides = array<i32>} : memref<8x6400xf32, #tpu.memory_space<vmem>>, vector<16xf32>,
        %parallel_loop3A_114 = arith.constant 1 : i32
        %parallel_loop3A_115 = vector.broadcast %parallel_loop3A_114 : i32 to vector<16xi32>
        %parallel_loop3A_116 = arith.cmpi eq, %parallel_loop3A_86, %parallel_loop3A_115 : vector<16xi32>
        %parallel_loop3A_117 = arith.constant 0.000000e+00 : f32
        %parallel_loop3A_118 = vector.broadcast %parallel_loop3A_117 : f32 to vector<16xf32>
        %parallel_loop3A_119 = arith.select %parallel_loop3A_116, %parallel_loop3A_107, %parallel_loop3A_118 : vector<16xi1>, vector<16xf32>
        %parallel_loop3A_120 = arith.addf %parallel_loop3A_72, %parallel_loop3A_119 : vector<16xf32>
        %parallel_loop3A_121 = arith.constant 2048 : i32
        %parallel_loop3A_122 = vector.broadcast %parallel_loop3A_121 : i32 to vector<16xi32>
        %parallel_loop3A_123 = arith.addi %parallel_loop3A_78, %parallel_loop3A_122 : vector<16xi32>
        %parallel_loop3A_124 = tpu.vector_load_idx %arg11[%parallel_loop3A_123] : memref<8192xf32, #tpu.memory_space<vmem>>[vector<16xi32>], vector<16xf32>,
        %parallel_loop3A_125 = arith.constant 16 : i32
        %parallel_loop3A_126 = arith.muli %parallel_loop3A_70, %parallel_loop3A_125 : i32
        %parallel_loop3A_127 = arith.constant 2 : i32
        %parallel_loop3A_128 = arith.index_cast %parallel_loop3A_127 : i32 to index
        %parallel_loop3A_129 = arith.index_cast %parallel_loop3A_126 : i32 to index
        %parallel_loop3A_130 = tpu.vector_load %arg13[%parallel_loop3A_128, %parallel_loop3A_129] {strides = array<i32>} : memref<8x6400xf32, #tpu.memory_space<vmem>>, vector<16xf32>,
        tpu.vector_store %arg13[%parallel_loop3A_128, %parallel_loop3A_129], %parallel_loop3A_124 {strides = array<i32>} : memref<8x6400xf32, #tpu.memory_space<vmem>>, vector<16xf32>,
        %parallel_loop3A_131 = arith.constant 2 : i32
        %parallel_loop3A_132 = vector.broadcast %parallel_loop3A_131 : i32 to vector<16xi32>
        %parallel_loop3A_133 = arith.cmpi eq, %parallel_loop3A_86, %parallel_loop3A_132 : vector<16xi32>
        %parallel_loop3A_134 = arith.constant 0.000000e+00 : f32
        %parallel_loop3A_135 = vector.broadcast %parallel_loop3A_134 : f32 to vector<16xf32>
        %parallel_loop3A_136 = arith.select %parallel_loop3A_133, %parallel_loop3A_124, %parallel_loop3A_135 : vector<16xi1>, vector<16xf32>
        %parallel_loop3A_137 = arith.addf %parallel_loop3A_73, %parallel_loop3A_136 : vector<16xf32>
        %parallel_loop3A_138 = arith.constant 3072 : i32
        %parallel_loop3A_139 = vector.broadcast %parallel_loop3A_138 : i32 to vector<16xi32>
        %parallel_loop3A_140 = arith.addi %parallel_loop3A_78, %parallel_loop3A_139 : vector<16xi32>
        %parallel_loop3A_141 = tpu.vector_load_idx %arg11[%parallel_loop3A_140] : memref<8192xf32, #tpu.memory_space<vmem>>[vector<16xi32>], vector<16xf32>,
        %parallel_loop3A_142 = arith.constant 16 : i32
        %parallel_loop3A_143 = arith.muli %parallel_loop3A_70, %parallel_loop3A_142 : i32
        %parallel_loop3A_144 = arith.constant 3 : i32
        %parallel_loop3A_145 = arith.index_cast %parallel_loop3A_144 : i32 to index
        %parallel_loop3A_146 = arith.index_cast %parallel_loop3A_143 : i32 to index
        %parallel_loop3A_147 = tpu.vector_load %arg13[%parallel_loop3A_145, %parallel_loop3A_146] {strides = array<i32>} : memref<8x6400xf32, #tpu.memory_space<vmem>>, vector<16xf32>,
        tpu.vector_store %arg13[%parallel_loop3A_145, %parallel_loop3A_146], %parallel_loop3A_141 {strides = array<i32>} : memref<8x6400xf32, #tpu.memory_space<vmem>>, vector<16xf32>,
        %parallel_loop3A_148 = arith.constant 3 : i32
        %parallel_loop3A_149 = vector.broadcast %parallel_loop3A_148 : i32 to vector<16xi32>
        %parallel_loop3A_150 = arith.cmpi eq, %parallel_loop3A_86, %parallel_loop3A_149 : vector<16xi32>
        %parallel_loop3A_151 = arith.constant 0.000000e+00 : f32
        %parallel_loop3A_152 = vector.broadcast %parallel_loop3A_151 : f32 to vector<16xf32>
        %parallel_loop3A_153 = arith.select %parallel_loop3A_150, %parallel_loop3A_141, %parallel_loop3A_152 : vector<16xi1>, vector<16xf32>
        %parallel_loop3A_154 = arith.addf %parallel_loop3A_74, %parallel_loop3A_153 : vector<16xf32>
        %parallel_loop3A_155 = arith.constant 4096 : i32
        %parallel_loop3A_156 = vector.broadcast %parallel_loop3A_155 : i32 to vector<16xi32>
        %parallel_loop3A_157 = arith.addi %parallel_loop3A_78, %parallel_loop3A_156 : vector<16xi32>
        %parallel_loop3A_158 = tpu.vector_load_idx %arg11[%parallel_loop3A_157] : memref<8192xf32, #tpu.memory_space<vmem>>[vector<16xi32>], vector<16xf32>,
        %parallel_loop3A_159 = arith.constant 16 : i32
        %parallel_loop3A_160 = arith.muli %parallel_loop3A_70, %parallel_loop3A_159 : i32
        %parallel_loop3A_161 = arith.constant 4 : i32
        %parallel_loop3A_162 = arith.index_cast %parallel_loop3A_161 : i32 to index
        %parallel_loop3A_163 = arith.index_cast %parallel_loop3A_160 : i32 to index
        %parallel_loop3A_164 = tpu.vector_load %arg13[%parallel_loop3A_162, %parallel_loop3A_163] {strides = array<i32>} : memref<8x6400xf32, #tpu.memory_space<vmem>>, vector<16xf32>,
        tpu.vector_store %arg13[%parallel_loop3A_162, %parallel_loop3A_163], %parallel_loop3A_158 {strides = array<i32>} : memref<8x6400xf32, #tpu.memory_space<vmem>>, vector<16xf32>,
        %parallel_loop3A_165 = arith.constant 4 : i32
        %parallel_loop3A_166 = vector.broadcast %parallel_loop3A_165 : i32 to vector<16xi32>
        %parallel_loop3A_167 = arith.cmpi eq, %parallel_loop3A_86, %parallel_loop3A_166 : vector<16xi32>
        %parallel_loop3A_168 = arith.constant 0.000000e+00 : f32
        %parallel_loop3A_169 = vector.broadcast %parallel_loop3A_168 : f32 to vector<16xf32>
        %parallel_loop3A_170 = arith.select %parallel_loop3A_167, %parallel_loop3A_158, %parallel_loop3A_169 : vector<16xi1>, vector<16xf32>
        %parallel_loop3A_171 = arith.addf %parallel_loop3A_103, %parallel_loop3A_170 : vector<16xf32>
        %parallel_loop3A_172 = arith.constant 5120 : i32
        %parallel_loop3A_173 = vector.broadcast %parallel_loop3A_172 : i32 to vector<16xi32>
        %parallel_loop3A_174 = arith.addi %parallel_loop3A_78, %parallel_loop3A_173 : vector<16xi32>
        %parallel_loop3A_175 = tpu.vector_load_idx %arg11[%parallel_loop3A_174] : memref<8192xf32, #tpu.memory_space<vmem>>[vector<16xi32>], vector<16xf32>,
        %parallel_loop3A_176 = arith.constant 16 : i32
        %parallel_loop3A_177 = arith.muli %parallel_loop3A_70, %parallel_loop3A_176 : i32
        %parallel_loop3A_178 = arith.constant 5 : i32
        %parallel_loop3A_179 = arith.index_cast %parallel_loop3A_178 : i32 to index
        %parallel_loop3A_180 = arith.index_cast %parallel_loop3A_177 : i32 to index
        %parallel_loop3A_181 = tpu.vector_load %arg13[%parallel_loop3A_179, %parallel_loop3A_180] {strides = array<i32>} : memref<8x6400xf32, #tpu.memory_space<vmem>>, vector<16xf32>,
        tpu.vector_store %arg13[%parallel_loop3A_179, %parallel_loop3A_180], %parallel_loop3A_175 {strides = array<i32>} : memref<8x6400xf32, #tpu.memory_space<vmem>>, vector<16xf32>,
        %parallel_loop3A_182 = arith.constant 5 : i32
        %parallel_loop3A_183 = vector.broadcast %parallel_loop3A_182 : i32 to vector<16xi32>
        %parallel_loop3A_184 = arith.cmpi eq, %parallel_loop3A_86, %parallel_loop3A_183 : vector<16xi32>
        %parallel_loop3A_185 = arith.constant 0.000000e+00 : f32
        %parallel_loop3A_186 = vector.broadcast %parallel_loop3A_185 : f32 to vector<16xf32>
        %parallel_loop3A_187 = arith.select %parallel_loop3A_184, %parallel_loop3A_175, %parallel_loop3A_186 : vector<16xi1>, vector<16xf32>
        %parallel_loop3A_188 = arith.addf %parallel_loop3A_120, %parallel_loop3A_187 : vector<16xf32>
        %parallel_loop3A_189 = arith.constant 6144 : i32
        %parallel_loop3A_190 = vector.broadcast %parallel_loop3A_189 : i32 to vector<16xi32>
        %parallel_loop3A_191 = arith.addi %parallel_loop3A_78, %parallel_loop3A_190 : vector<16xi32>
        %parallel_loop3A_192 = tpu.vector_load_idx %arg11[%parallel_loop3A_191] : memref<8192xf32, #tpu.memory_space<vmem>>[vector<16xi32>], vector<16xf32>,
        %parallel_loop3A_193 = arith.constant 16 : i32
        %parallel_loop3A_194 = arith.muli %parallel_loop3A_70, %parallel_loop3A_193 : i32
        %parallel_loop3A_195 = arith.constant 6 : i32
        %parallel_loop3A_196 = arith.index_cast %parallel_loop3A_195 : i32 to index
        %parallel_loop3A_197 = arith.index_cast %parallel_loop3A_194 : i32 to index
        %parallel_loop3A_198 = tpu.vector_load %arg13[%parallel_loop3A_196, %parallel_loop3A_197] {strides = array<i32>} : memref<8x6400xf32, #tpu.memory_space<vmem>>, vector<16xf32>,
        tpu.vector_store %arg13[%parallel_loop3A_196, %parallel_loop3A_197], %parallel_loop3A_192 {strides = array<i32>} : memref<8x6400xf32, #tpu.memory_space<vmem>>, vector<16xf32>,
        %parallel_loop3A_199 = arith.constant 6 : i32
        %parallel_loop3A_200 = vector.broadcast %parallel_loop3A_199 : i32 to vector<16xi32>
        %parallel_loop3A_201 = arith.cmpi eq, %parallel_loop3A_86, %parallel_loop3A_200 : vector<16xi32>
        %parallel_loop3A_202 = arith.constant 0.000000e+00 : f32
        %parallel_loop3A_203 = vector.broadcast %parallel_loop3A_202 : f32 to vector<16xf32>
        %parallel_loop3A_204 = arith.select %parallel_loop3A_201, %parallel_loop3A_192, %parallel_loop3A_203 : vector<16xi1>, vector<16xf32>
        %parallel_loop3A_205 = arith.addf %parallel_loop3A_137, %parallel_loop3A_204 : vector<16xf32>
        %parallel_loop3A_206 = arith.constant 7168 : i32
        %parallel_loop3A_207 = vector.broadcast %parallel_loop3A_206 : i32 to vector<16xi32>
        %parallel_loop3A_208 = arith.addi %parallel_loop3A_78, %parallel_loop3A_207 : vector<16xi32>
        %parallel_loop3A_209 = tpu.vector_load_idx %arg11[%parallel_loop3A_208] : memref<8192xf32, #tpu.memory_space<vmem>>[vector<16xi32>], vector<16xf32>,
        %parallel_loop3A_210 = arith.constant 16 : i32
        %parallel_loop3A_211 = arith.muli %parallel_loop3A_70, %parallel_loop3A_210 : i32
        %parallel_loop3A_212 = arith.constant 7 : i32
        %parallel_loop3A_213 = arith.index_cast %parallel_loop3A_212 : i32 to index
        %parallel_loop3A_214 = arith.index_cast %parallel_loop3A_211 : i32 to index
        %parallel_loop3A_215 = tpu.vector_load %arg13[%parallel_loop3A_213, %parallel_loop3A_214] {strides = array<i32>} : memref<8x6400xf32, #tpu.memory_space<vmem>>, vector<16xf32>,
        tpu.vector_store %arg13[%parallel_loop3A_213, %parallel_loop3A_214], %parallel_loop3A_209 {strides = array<i32>} : memref<8x6400xf32, #tpu.memory_space<vmem>>, vector<16xf32>,
        %parallel_loop3A_216 = arith.constant 7 : i32
        %parallel_loop3A_217 = vector.broadcast %parallel_loop3A_216 : i32 to vector<16xi32>
        %parallel_loop3A_218 = arith.cmpi eq, %parallel_loop3A_86, %parallel_loop3A_217 : vector<16xi32>
        %parallel_loop3A_219 = arith.constant 0.000000e+00 : f32
        %parallel_loop3A_220 = vector.broadcast %parallel_loop3A_219 : f32 to vector<16xf32>
        %parallel_loop3A_221 = arith.select %parallel_loop3A_218, %parallel_loop3A_209, %parallel_loop3A_220 : vector<16xi1>, vector<16xf32>
        %parallel_loop3A_222 = arith.addf %parallel_loop3A_154, %parallel_loop3A_221 : vector<16xf32>
        scf.yield %parallel_loop3A_171, %parallel_loop3A_188, %parallel_loop3A_205, %parallel_loop3A_222 : vector<16xf32>, vector<16xf32>, vector<16xf32>, vector<16xf32>
      } {sc.loop_unroll_factor = 2 : i64, sc.parallel_access}
      %mul3A_66 = arith.constant 8 : i32
      %mul3A_67 = arith.muli %add3A_42, %mul3A_66 : i32
      %dma_start3A_68 = tpu.memref_slice %arg6[%mul3A_67, %mul3A_2] : memref<1000x204800xf32, #tpu.memory_space<hbm>> -> memref<8x6400xf32, #tpu.memory_space<hbm>>
      %dma_start3A_69 = tpu.memref_slice %arg6[%mul3A_67, %mul3A_2] : memref<1000x204800xf32, #tpu.memory_space<hbm>> -> memref<8x6400xf32, #tpu.memory_space<hbm>>
      tpu.enqueue_dma source(%arg13 : memref<8x6400xf32, #tpu.memory_space<vmem>>) target(%dma_start3A_69 : memref<8x6400xf32, #tpu.memory_space<hbm>>) target_semaphore(%arg16 : memref<!tpu.dma_semaphore, #tpu.memory_space<semaphore_mem>>)
      scf.yield %parallel_loop3A_65#0, %parallel_loop3A_65#1, %parallel_loop3A_65#2, %parallel_loop3A_65#3 : vector<16xf32>, vector<16xf32>, vector<16xf32>, vector<16xf32>
    }
    %scan3A_11 = arith.constant 62 : i32
    %dma_wait3A = arith.constant 0 : i32
    %dma_wait3A_12 = tpu.memref_slice %arg6[%dma_wait3A, %mul3A_2] : memref<1000x204800xf32, #tpu.memory_space<hbm>> -> memref<8x6400xf32, #tpu.memory_space<hbm>>
    %dma_wait3A_13 = arith.constant 0 : i32
    %dma_wait3A_14 = tpu.memref_slice %arg6[%dma_wait3A_13, %mul3A_2] : memref<1000x204800xf32, #tpu.memory_space<hbm>> -> memref<8x6400xf32, #tpu.memory_space<hbm>>
    tpu.wait_dma2 semaphore(%arg15 : memref<!tpu.dma_semaphore, #tpu.memory_space<semaphore_mem>>) src(%arg12 : memref<8x6400xf32, #tpu.memory_space<vmem>>) dst(%dma_wait3A_14 : memref<8x6400xf32, #tpu.memory_space<hbm>>)
    "tpu.region"() ({
      %run_scoped3A = tpu.sem_alloc : memref<!tpu.dma_semaphore, #tpu.memory_space<semaphore_mem>>
      %dma_start3A_34 = arith.constant 1015808 : i32
      %dma_start3A_35 = tpu.memref_slice %arg2[%dma_start3A_34] : memref<1048576xf32, #tpu.memory_space<hbm>> -> memref<8192xf32, #tpu.memory_space<hbm>>
      %dma_start3A_36 = arith.constant 1015808 : i32
      %dma_start3A_37 = tpu.memref_slice %arg2[%dma_start3A_36] : memref<1048576xf32, #tpu.memory_space<hbm>> -> memref<8192xf32, #tpu.memory_space<hbm>>
      tpu.enqueue_dma source(%dma_start3A_37 : memref<8192xf32, #tpu.memory_space<hbm>>) target(%arg11 : memref<8192xf32, #tpu.memory_space<vmem>>) target_semaphore(%run_scoped3A : memref<!tpu.dma_semaphore, #tpu.memory_space<semaphore_mem>>)
      %dma_wait3A_38 = arith.constant 1015808 : i32
      %dma_wait3A_39 = tpu.memref_slice %arg2[%dma_wait3A_38] : memref<1048576xf32, #tpu.memory_space<hbm>> -> memref<8192xf32, #tpu.memory_space<hbm>>
      %dma_wait3A_40 = arith.constant 1015808 : i32
      %dma_wait3A_41 = tpu.memref_slice %arg2[%dma_wait3A_40] : memref<1048576xf32, #tpu.memory_space<hbm>> -> memref<8192xf32, #tpu.memory_space<hbm>>
      tpu.wait_dma2 semaphore(%run_scoped3A : memref<!tpu.dma_semaphore, #tpu.memory_space<semaphore_mem>>) src(%dma_wait3A_41 : memref<8192xf32, #tpu.memory_space<hbm>>) dst(%arg11 : memref<8192xf32, #tpu.memory_space<vmem>>)
      tpu.yield
    }) : () -> ()
    %parallel_loop3A_15 = arith.constant 0 : i32
    %parallel_loop3A_16 = arith.constant 400 : i32
    %parallel_loop3A_17 = arith.constant 1 : i32
    %parallel_loop3A_18:4 = scf.for %parallel_loop3A_34 = %parallel_loop3A_15 to %parallel_loop3A_16 step %parallel_loop3A_17 iter_args(%parallel_loop3A_35 = %scan3A_10#0, %parallel_loop3A_36 = %scan3A_10#1, %parallel_loop3A_37 = %scan3A_10#2, %parallel_loop3A_38 = %scan3A_10#3) -> (vector<16xf32>, vector<16xf32>, vector<16xf32>, vector<16xf32>)  : i32 {
      %parallel_loop3A_39 = arith.constant 16 : i32
      %parallel_loop3A_40 = arith.muli %parallel_loop3A_34, %parallel_loop3A_39 : i32
      %parallel_loop3A_41 = arith.index_cast %parallel_loop3A_40 : i32 to index
      %parallel_loop3A_42 = tpu.vector_load %arg8[%parallel_loop3A_41] {strides = array<i32>} : memref<6400xi32, #tpu.memory_space<vmem>>, vector<16xi32>,
      %parallel_loop3A_43 = arith.constant 16 : i32
      %parallel_loop3A_44 = arith.muli %parallel_loop3A_34, %parallel_loop3A_43 : i32
      %parallel_loop3A_45 = arith.index_cast %parallel_loop3A_44 : i32 to index
      %parallel_loop3A_46 = tpu.vector_load %arg9[%parallel_loop3A_45] {strides = array<i32>} : memref<6400xi32, #tpu.memory_space<vmem>>, vector<16xi32>,
      %parallel_loop3A_47 = arith.constant 992 : i32
      %parallel_loop3A_48 = vector.broadcast %parallel_loop3A_47 : i32 to vector<16xi32>
      %parallel_loop3A_49 = arith.subi %parallel_loop3A_46, %parallel_loop3A_48 : vector<16xi32>
      %parallel_loop3A_50 = arith.constant 0 : i32
      %parallel_loop3A_51 = vector.broadcast %parallel_loop3A_50 : i32 to vector<16xi32>
      %parallel_loop3A_52 = arith.addi %parallel_loop3A_42, %parallel_loop3A_51 : vector<16xi32>
      %parallel_loop3A_53 = tpu.vector_load_idx %arg11[%parallel_loop3A_52] : memref<8192xf32, #tpu.memory_space<vmem>>[vector<16xi32>], vector<16xf32>,
      %parallel_loop3A_54 = arith.constant 16 : i32
      %parallel_loop3A_55 = arith.muli %parallel_loop3A_34, %parallel_loop3A_54 : i32
      %parallel_loop3A_56 = arith.constant 0 : i32
      %parallel_loop3A_57 = arith.index_cast %parallel_loop3A_56 : i32 to index
      %parallel_loop3A_58 = arith.index_cast %parallel_loop3A_55 : i32 to index
      %parallel_loop3A_59 = tpu.vector_load %arg12[%parallel_loop3A_57, %parallel_loop3A_58] {strides = array<i32>} : memref<8x6400xf32, #tpu.memory_space<vmem>>, vector<16xf32>,
      tpu.vector_store %arg12[%parallel_loop3A_57, %parallel_loop3A_58], %parallel_loop3A_53 {strides = array<i32>} : memref<8x6400xf32, #tpu.memory_space<vmem>>, vector<16xf32>,
      %parallel_loop3A_60 = arith.constant 0 : i32
      %parallel_loop3A_61 = vector.broadcast %parallel_loop3A_60 : i32 to vector<16xi32>
      %parallel_loop3A_62 = arith.cmpi eq, %parallel_loop3A_49, %parallel_loop3A_61 : vector<16xi32>
      %parallel_loop3A_63 = arith.constant 0.000000e+00 : f32
      %parallel_loop3A_64 = vector.broadcast %parallel_loop3A_63 : f32 to vector<16xf32>
      %parallel_loop3A_65 = arith.select %parallel_loop3A_62, %parallel_loop3A_53, %parallel_loop3A_64 : vector<16xi1>, vector<16xf32>
      %parallel_loop3A_66 = arith.addf %parallel_loop3A_35, %parallel_loop3A_65 : vector<16xf32>
      %parallel_loop3A_67 = arith.constant 1024 : i32
      %parallel_loop3A_68 = vector.broadcast %parallel_loop3A_67 : i32 to vector<16xi32>
      %parallel_loop3A_69 = arith.addi %parallel_loop3A_42, %parallel_loop3A_68 : vector<16xi32>
      %parallel_loop3A_70 = tpu.vector_load_idx %arg11[%parallel_loop3A_69] : memref<8192xf32, #tpu.memory_space<vmem>>[vector<16xi32>], vector<16xf32>,
      %parallel_loop3A_71 = arith.constant 16 : i32
      %parallel_loop3A_72 = arith.muli %parallel_loop3A_34, %parallel_loop3A_71 : i32
      %parallel_loop3A_73 = arith.constant 1 : i32
      %parallel_loop3A_74 = arith.index_cast %parallel_loop3A_73 : i32 to index
      %parallel_loop3A_75 = arith.index_cast %parallel_loop3A_72 : i32 to index
      %parallel_loop3A_76 = tpu.vector_load %arg12[%parallel_loop3A_74, %parallel_loop3A_75] {strides = array<i32>} : memref<8x6400xf32, #tpu.memory_space<vmem>>, vector<16xf32>,
      tpu.vector_store %arg12[%parallel_loop3A_74, %parallel_loop3A_75], %parallel_loop3A_70 {strides = array<i32>} : memref<8x6400xf32, #tpu.memory_space<vmem>>, vector<16xf32>,
      %parallel_loop3A_77 = arith.constant 1 : i32
      %parallel_loop3A_78 = vector.broadcast %parallel_loop3A_77 : i32 to vector<16xi32>
      %parallel_loop3A_79 = arith.cmpi eq, %parallel_loop3A_49, %parallel_loop3A_78 : vector<16xi32>
      %parallel_loop3A_80 = arith.constant 0.000000e+00 : f32
      %parallel_loop3A_81 = vector.broadcast %parallel_loop3A_80 : f32 to vector<16xf32>
      %parallel_loop3A_82 = arith.select %parallel_loop3A_79, %parallel_loop3A_70, %parallel_loop3A_81 : vector<16xi1>, vector<16xf32>
      %parallel_loop3A_83 = arith.addf %parallel_loop3A_36, %parallel_loop3A_82 : vector<16xf32>
      %parallel_loop3A_84 = arith.constant 2048 : i32
      %parallel_loop3A_85 = vector.broadcast %parallel_loop3A_84 : i32 to vector<16xi32>
      %parallel_loop3A_86 = arith.addi %parallel_loop3A_42, %parallel_loop3A_85 : vector<16xi32>
      %parallel_loop3A_87 = tpu.vector_load_idx %arg11[%parallel_loop3A_86] : memref<8192xf32, #tpu.memory_space<vmem>>[vector<16xi32>], vector<16xf32>,
      %parallel_loop3A_88 = arith.constant 16 : i32
      %parallel_loop3A_89 = arith.muli %parallel_loop3A_34, %parallel_loop3A_88 : i32
      %parallel_loop3A_90 = arith.constant 2 : i32
      %parallel_loop3A_91 = arith.index_cast %parallel_loop3A_90 : i32 to index
      %parallel_loop3A_92 = arith.index_cast %parallel_loop3A_89 : i32 to index
      %parallel_loop3A_93 = tpu.vector_load %arg12[%parallel_loop3A_91, %parallel_loop3A_92] {strides = array<i32>} : memref<8x6400xf32, #tpu.memory_space<vmem>>, vector<16xf32>,
      tpu.vector_store %arg12[%parallel_loop3A_91, %parallel_loop3A_92], %parallel_loop3A_87 {strides = array<i32>} : memref<8x6400xf32, #tpu.memory_space<vmem>>, vector<16xf32>,
      %parallel_loop3A_94 = arith.constant 2 : i32
      %parallel_loop3A_95 = vector.broadcast %parallel_loop3A_94 : i32 to vector<16xi32>
      %parallel_loop3A_96 = arith.cmpi eq, %parallel_loop3A_49, %parallel_loop3A_95 : vector<16xi32>
      %parallel_loop3A_97 = arith.constant 0.000000e+00 : f32
      %parallel_loop3A_98 = vector.broadcast %parallel_loop3A_97 : f32 to vector<16xf32>
      %parallel_loop3A_99 = arith.select %parallel_loop3A_96, %parallel_loop3A_87, %parallel_loop3A_98 : vector<16xi1>, vector<16xf32>
      %parallel_loop3A_100 = arith.addf %parallel_loop3A_37, %parallel_loop3A_99 : vector<16xf32>
      %parallel_loop3A_101 = arith.constant 3072 : i32
      %parallel_loop3A_102 = vector.broadcast %parallel_loop3A_101 : i32 to vector<16xi32>
      %parallel_loop3A_103 = arith.addi %parallel_loop3A_42, %parallel_loop3A_102 : vector<16xi32>
      %parallel_loop3A_104 = tpu.vector_load_idx %arg11[%parallel_loop3A_103] : memref<8192xf32, #tpu.memory_space<vmem>>[vector<16xi32>], vector<16xf32>,
      %parallel_loop3A_105 = arith.constant 16 : i32
      %parallel_loop3A_106 = arith.muli %parallel_loop3A_34, %parallel_loop3A_105 : i32
      %parallel_loop3A_107 = arith.constant 3 : i32
      %parallel_loop3A_108 = arith.index_cast %parallel_loop3A_107 : i32 to index
      %parallel_loop3A_109 = arith.index_cast %parallel_loop3A_106 : i32 to index
      %parallel_loop3A_110 = tpu.vector_load %arg12[%parallel_loop3A_108, %parallel_loop3A_109] {strides = array<i32>} : memref<8x6400xf32, #tpu.memory_space<vmem>>, vector<16xf32>,
      tpu.vector_store %arg12[%parallel_loop3A_108, %parallel_loop3A_109], %parallel_loop3A_104 {strides = array<i32>} : memref<8x6400xf32, #tpu.memory_space<vmem>>, vector<16xf32>,
      %parallel_loop3A_111 = arith.constant 3 : i32
      %parallel_loop3A_112 = vector.broadcast %parallel_loop3A_111 : i32 to vector<16xi32>
      %parallel_loop3A_113 = arith.cmpi eq, %parallel_loop3A_49, %parallel_loop3A_112 : vector<16xi32>
      %parallel_loop3A_114 = arith.constant 0.000000e+00 : f32
      %parallel_loop3A_115 = vector.broadcast %parallel_loop3A_114 : f32 to vector<16xf32>
      %parallel_loop3A_116 = arith.select %parallel_loop3A_113, %parallel_loop3A_104, %parallel_loop3A_115 : vector<16xi1>, vector<16xf32>
      %parallel_loop3A_117 = arith.addf %parallel_loop3A_38, %parallel_loop3A_116 : vector<16xf32>
      %parallel_loop3A_118 = arith.constant 4096 : i32
      %parallel_loop3A_119 = vector.broadcast %parallel_loop3A_118 : i32 to vector<16xi32>
      %parallel_loop3A_120 = arith.addi %parallel_loop3A_42, %parallel_loop3A_119 : vector<16xi32>
      %parallel_loop3A_121 = tpu.vector_load_idx %arg11[%parallel_loop3A_120] : memref<8192xf32, #tpu.memory_space<vmem>>[vector<16xi32>], vector<16xf32>,
      %parallel_loop3A_122 = arith.constant 16 : i32
      %parallel_loop3A_123 = arith.muli %parallel_loop3A_34, %parallel_loop3A_122 : i32
      %parallel_loop3A_124 = arith.constant 4 : i32
      %parallel_loop3A_125 = arith.index_cast %parallel_loop3A_124 : i32 to index
      %parallel_loop3A_126 = arith.index_cast %parallel_loop3A_123 : i32 to index
      %parallel_loop3A_127 = tpu.vector_load %arg12[%parallel_loop3A_125, %parallel_loop3A_126] {strides = array<i32>} : memref<8x6400xf32, #tpu.memory_space<vmem>>, vector<16xf32>,
      tpu.vector_store %arg12[%parallel_loop3A_125, %parallel_loop3A_126], %parallel_loop3A_121 {strides = array<i32>} : memref<8x6400xf32, #tpu.memory_space<vmem>>, vector<16xf32>,
      %parallel_loop3A_128 = arith.constant 4 : i32
      %parallel_loop3A_129 = vector.broadcast %parallel_loop3A_128 : i32 to vector<16xi32>
      %parallel_loop3A_130 = arith.cmpi eq, %parallel_loop3A_49, %parallel_loop3A_129 : vector<16xi32>
      %parallel_loop3A_131 = arith.constant 0.000000e+00 : f32
      %parallel_loop3A_132 = vector.broadcast %parallel_loop3A_131 : f32 to vector<16xf32>
      %parallel_loop3A_133 = arith.select %parallel_loop3A_130, %parallel_loop3A_121, %parallel_loop3A_132 : vector<16xi1>, vector<16xf32>
      %parallel_loop3A_134 = arith.addf %parallel_loop3A_66, %parallel_loop3A_133 : vector<16xf32>
      %parallel_loop3A_135 = arith.constant 5120 : i32
      %parallel_loop3A_136 = vector.broadcast %parallel_loop3A_135 : i32 to vector<16xi32>
      %parallel_loop3A_137 = arith.addi %parallel_loop3A_42, %parallel_loop3A_136 : vector<16xi32>
      %parallel_loop3A_138 = tpu.vector_load_idx %arg11[%parallel_loop3A_137] : memref<8192xf32, #tpu.memory_space<vmem>>[vector<16xi32>], vector<16xf32>,
      %parallel_loop3A_139 = arith.constant 16 : i32
      %parallel_loop3A_140 = arith.muli %parallel_loop3A_34, %parallel_loop3A_139 : i32
      %parallel_loop3A_141 = arith.constant 5 : i32
      %parallel_loop3A_142 = arith.index_cast %parallel_loop3A_141 : i32 to index
      %parallel_loop3A_143 = arith.index_cast %parallel_loop3A_140 : i32 to index
      %parallel_loop3A_144 = tpu.vector_load %arg12[%parallel_loop3A_142, %parallel_loop3A_143] {strides = array<i32>} : memref<8x6400xf32, #tpu.memory_space<vmem>>, vector<16xf32>,
      tpu.vector_store %arg12[%parallel_loop3A_142, %parallel_loop3A_143], %parallel_loop3A_138 {strides = array<i32>} : memref<8x6400xf32, #tpu.memory_space<vmem>>, vector<16xf32>,
      %parallel_loop3A_145 = arith.constant 5 : i32
      %parallel_loop3A_146 = vector.broadcast %parallel_loop3A_145 : i32 to vector<16xi32>
      %parallel_loop3A_147 = arith.cmpi eq, %parallel_loop3A_49, %parallel_loop3A_146 : vector<16xi32>
      %parallel_loop3A_148 = arith.constant 0.000000e+00 : f32
      %parallel_loop3A_149 = vector.broadcast %parallel_loop3A_148 : f32 to vector<16xf32>
      %parallel_loop3A_150 = arith.select %parallel_loop3A_147, %parallel_loop3A_138, %parallel_loop3A_149 : vector<16xi1>, vector<16xf32>
      %parallel_loop3A_151 = arith.addf %parallel_loop3A_83, %parallel_loop3A_150 : vector<16xf32>
      %parallel_loop3A_152 = arith.constant 6144 : i32
      %parallel_loop3A_153 = vector.broadcast %parallel_loop3A_152 : i32 to vector<16xi32>
      %parallel_loop3A_154 = arith.addi %parallel_loop3A_42, %parallel_loop3A_153 : vector<16xi32>
      %parallel_loop3A_155 = tpu.vector_load_idx %arg11[%parallel_loop3A_154] : memref<8192xf32, #tpu.memory_space<vmem>>[vector<16xi32>], vector<16xf32>,
      %parallel_loop3A_156 = arith.constant 16 : i32
      %parallel_loop3A_157 = arith.muli %parallel_loop3A_34, %parallel_loop3A_156 : i32
      %parallel_loop3A_158 = arith.constant 6 : i32
      %parallel_loop3A_159 = arith.index_cast %parallel_loop3A_158 : i32 to index
      %parallel_loop3A_160 = arith.index_cast %parallel_loop3A_157 : i32 to index
      %parallel_loop3A_161 = tpu.vector_load %arg12[%parallel_loop3A_159, %parallel_loop3A_160] {strides = array<i32>} : memref<8x6400xf32, #tpu.memory_space<vmem>>, vector<16xf32>,
      tpu.vector_store %arg12[%parallel_loop3A_159, %parallel_loop3A_160], %parallel_loop3A_155 {strides = array<i32>} : memref<8x6400xf32, #tpu.memory_space<vmem>>, vector<16xf32>,
      %parallel_loop3A_162 = arith.constant 6 : i32
      %parallel_loop3A_163 = vector.broadcast %parallel_loop3A_162 : i32 to vector<16xi32>
      %parallel_loop3A_164 = arith.cmpi eq, %parallel_loop3A_49, %parallel_loop3A_163 : vector<16xi32>
      %parallel_loop3A_165 = arith.constant 0.000000e+00 : f32
      %parallel_loop3A_166 = vector.broadcast %parallel_loop3A_165 : f32 to vector<16xf32>
      %parallel_loop3A_167 = arith.select %parallel_loop3A_164, %parallel_loop3A_155, %parallel_loop3A_166 : vector<16xi1>, vector<16xf32>
      %parallel_loop3A_168 = arith.addf %parallel_loop3A_100, %parallel_loop3A_167 : vector<16xf32>
      %parallel_loop3A_169 = arith.constant 7168 : i32
      %parallel_loop3A_170 = vector.broadcast %parallel_loop3A_169 : i32 to vector<16xi32>
      %parallel_loop3A_171 = arith.addi %parallel_loop3A_42, %parallel_loop3A_170 : vector<16xi32>
      %parallel_loop3A_172 = tpu.vector_load_idx %arg11[%parallel_loop3A_171] : memref<8192xf32, #tpu.memory_space<vmem>>[vector<16xi32>], vector<16xf32>,
      %parallel_loop3A_173 = arith.constant 16 : i32
      %parallel_loop3A_174 = arith.muli %parallel_loop3A_34, %parallel_loop3A_173 : i32
      %parallel_loop3A_175 = arith.constant 7 : i32
      %parallel_loop3A_176 = arith.index_cast %parallel_loop3A_175 : i32 to index
      %parallel_loop3A_177 = arith.index_cast %parallel_loop3A_174 : i32 to index
      %parallel_loop3A_178 = tpu.vector_load %arg12[%parallel_loop3A_176, %parallel_loop3A_177] {strides = array<i32>} : memref<8x6400xf32, #tpu.memory_space<vmem>>, vector<16xf32>,
      tpu.vector_store %arg12[%parallel_loop3A_176, %parallel_loop3A_177], %parallel_loop3A_172 {strides = array<i32>} : memref<8x6400xf32, #tpu.memory_space<vmem>>, vector<16xf32>,
      %parallel_loop3A_179 = arith.constant 7 : i32
      %parallel_loop3A_180 = vector.broadcast %parallel_loop3A_179 : i32 to vector<16xi32>
      %parallel_loop3A_181 = arith.cmpi eq, %parallel_loop3A_49, %parallel_loop3A_180 : vector<16xi32>
      %parallel_loop3A_182 = arith.constant 0.000000e+00 : f32
      %parallel_loop3A_183 = vector.broadcast %parallel_loop3A_182 : f32 to vector<16xf32>
      %parallel_loop3A_184 = arith.select %parallel_loop3A_181, %parallel_loop3A_172, %parallel_loop3A_183 : vector<16xi1>, vector<16xf32>
      %parallel_loop3A_185 = arith.addf %parallel_loop3A_117, %parallel_loop3A_184 : vector<16xf32>
      scf.yield %parallel_loop3A_134, %parallel_loop3A_151, %parallel_loop3A_168, %parallel_loop3A_185 : vector<16xf32>, vector<16xf32>, vector<16xf32>, vector<16xf32>
    } {sc.loop_unroll_factor = 2 : i64, sc.parallel_access}
    %dma_start3A = arith.constant 992 : i32
    %dma_start3A_19 = tpu.memref_slice %arg6[%dma_start3A, %mul3A_2] : memref<1000x204800xf32, #tpu.memory_space<hbm>> -> memref<8x6400xf32, #tpu.memory_space<hbm>>
    %dma_start3A_20 = arith.constant 992 : i32
    %dma_start3A_21 = tpu.memref_slice %arg6[%dma_start3A_20, %mul3A_2] : memref<1000x204800xf32, #tpu.memory_space<hbm>> -> memref<8x6400xf32, #tpu.memory_space<hbm>>
    tpu.enqueue_dma source(%arg12 : memref<8x6400xf32, #tpu.memory_space<vmem>>) target(%dma_start3A_21 : memref<8x6400xf32, #tpu.memory_space<hbm>>) target_semaphore(%arg15 : memref<!tpu.dma_semaphore, #tpu.memory_space<semaphore_mem>>)
    %dma_wait3A_22 = arith.constant 0 : i32
    %dma_wait3A_23 = tpu.memref_slice %arg6[%dma_wait3A_22, %mul3A_2] : memref<1000x204800xf32, #tpu.memory_space<hbm>> -> memref<8x6400xf32, #tpu.memory_space<hbm>>
    %dma_wait3A_24 = arith.constant 0 : i32
    %dma_wait3A_25 = tpu.memref_slice %arg6[%dma_wait3A_24, %mul3A_2] : memref<1000x204800xf32, #tpu.memory_space<hbm>> -> memref<8x6400xf32, #tpu.memory_space<hbm>>
    tpu.wait_dma2 semaphore(%arg15 : memref<!tpu.dma_semaphore, #tpu.memory_space<semaphore_mem>>) src(%arg12 : memref<8x6400xf32, #tpu.memory_space<vmem>>) dst(%dma_wait3A_25 : memref<8x6400xf32, #tpu.memory_space<hbm>>)
    %dma_wait3A_26 = arith.constant 0 : i32
    %dma_wait3A_27 = tpu.memref_slice %arg6[%dma_wait3A_26, %mul3A_2] : memref<1000x204800xf32, #tpu.memory_space<hbm>> -> memref<8x6400xf32, #tpu.memory_space<hbm>>
    %dma_wait3A_28 = arith.constant 0 : i32
    %dma_wait3A_29 = tpu.memref_slice %arg6[%dma_wait3A_28, %mul3A_2] : memref<1000x204800xf32, #tpu.memory_space<hbm>> -> memref<8x6400xf32, #tpu.memory_space<hbm>>
    tpu.wait_dma2 semaphore(%arg16 : memref<!tpu.dma_semaphore, #tpu.memory_space<semaphore_mem>>) src(%arg13 : memref<8x6400xf32, #tpu.memory_space<vmem>>) dst(%dma_wait3A_29 : memref<8x6400xf32, #tpu.memory_space<hbm>>)
    %add3A_30 = arith.addf %parallel_loop3A_18#0, %parallel_loop3A_18#1 : vector<16xf32>
    %sub3A = arith.subf %parallel_loop3A_6, %add3A_30 : vector<16xf32>
    %add3A_31 = arith.addf %parallel_loop3A_18#2, %parallel_loop3A_18#3 : vector<16xf32>
    %sub3A_32 = arith.subf %sub3A, %add3A_31 : vector<16xf32>
    %swap3A = arith.constant 0 : index
    %swap3A_33 = tpu.vector_load %arg14[%swap3A] {strides = array<i32>} : memref<16xf32, #tpu.memory_space<vmem>>, vector<16xf32>,
    tpu.vector_store %arg14[%swap3A], %sub3A_32 {strides = array<i32>} : memref<16xf32, #tpu.memory_space<vmem>>, vector<16xf32>,
    "tpu.region"() ({
      %run_scoped3A = tpu.sem_alloc : memref<!tpu.dma_semaphore, #tpu.memory_space<semaphore_mem>>
      %dma_start3A_34 = arith.constant 0 : i32
      %dma_start3A_35 = tpu.memref_slice %arg7[%add3A, %dma_start3A_34] : memref<32x16xf32, #tpu.memory_space<hbm>> -> memref<1x16xf32, #tpu.memory_space<hbm>>
      %dma_start3A_36 = tpu.memref_squeeze %dma_start3A_35 : memref<1x16xf32, #tpu.memory_space<hbm>> -> memref<16xf32, #tpu.memory_space<hbm>>
      %dma_start3A_37 = arith.constant 0 : i32
      %dma_start3A_38 = tpu.memref_slice %arg7[%add3A, %dma_start3A_37] : memref<32x16xf32, #tpu.memory_space<hbm>> -> memref<1x16xf32, #tpu.memory_space<hbm>>
      %dma_start3A_39 = tpu.memref_squeeze %dma_start3A_38 : memref<1x16xf32, #tpu.memory_space<hbm>> -> memref<16xf32, #tpu.memory_space<hbm>>
      tpu.enqueue_dma source(%arg14 : memref<16xf32, #tpu.memory_space<vmem>>) target(%dma_start3A_39 : memref<16xf32, #tpu.memory_space<hbm>>) target_semaphore(%run_scoped3A : memref<!tpu.dma_semaphore, #tpu.memory_space<semaphore_mem>>)
      %dma_wait3A_40 = arith.constant 0 : i32
      %dma_wait3A_41 = tpu.memref_slice %arg7[%add3A, %dma_wait3A_40] : memref<32x16xf32, #tpu.memory_space<hbm>> -> memref<1x16xf32, #tpu.memory_space<hbm>>
      %dma_wait3A_42 = tpu.memref_squeeze %dma_wait3A_41 : memref<1x16xf32, #tpu.memory_space<hbm>> -> memref<16xf32, #tpu.memory_space<hbm>>
      %dma_wait3A_43 = arith.constant 0 : i32
      %dma_wait3A_44 = tpu.memref_slice %arg7[%add3A, %dma_wait3A_43] : memref<32x16xf32, #tpu.memory_space<hbm>> -> memref<1x16xf32, #tpu.memory_space<hbm>>
      %dma_wait3A_45 = tpu.memref_squeeze %dma_wait3A_44 : memref<1x16xf32, #tpu.memory_space<hbm>> -> memref<16xf32, #tpu.memory_space<hbm>>
      tpu.wait_dma2 semaphore(%run_scoped3A : memref<!tpu.dma_semaphore, #tpu.memory_space<semaphore_mem>>) src(%arg14 : memref<16xf32, #tpu.memory_space<vmem>>) dst(%dma_wait3A_45 : memref<16xf32, #tpu.memory_space<hbm>>)
      tpu.yield
    }) : () -> ()
    return
  }
}

module attributes {stable_mosaic.version = 14 : i64} {
  func.func @_lse_body(%arg0: memref<1024x1024xf32, #tpu.memory_space<vmem>>, %arg1: memref<1024xf32, #tpu.memory_space<vmem>>) attributes {dimension_semantics = [], scalar_prefetch = 0 : i64, scratch_operands = 0 : i64, tpu.core_type = #tpu.core_type<tc>} {
    %get3A = arith.constant 0 : index
    %get3A_0 = arith.constant 0 : index
    %get3A_1 = vector.load %arg0[%get3A, %get3A_0] : memref<1024x1024xf32, #tpu.memory_space<vmem>>, vector<1024x1024xf32>
    %reduce_max3A = arith.constant dense<0xFF800000> : vector<1024xf32>
    %reduce_max3A_2 = vector.multi_reduction <maximumf>, %get3A_1, %reduce_max3A [1] : vector<1024x1024xf32> to vector<1024xf32>
    %broadcast_in_dim3A = vector.shape_cast %reduce_max3A_2 : vector<1024xf32> to vector<1024x1xf32>
    %sub3A = vector.broadcast %broadcast_in_dim3A : vector<1024x1xf32> to vector<1024x1024xf32>
    %sub3A_3 = arith.subf %get3A_1, %sub3A : vector<1024x1024xf32>
    %exp3A = math.exp %sub3A_3 : vector<1024x1024xf32>
    %reduce_sum3A = arith.constant dense<0.000000e+00> : vector<1024xf32>
    %reduce_sum3A_4 = vector.multi_reduction <add>, %exp3A, %reduce_sum3A [1] : vector<1024x1024xf32> to vector<1024xf32>
    %log3A = math.log %reduce_sum3A_4 : vector<1024xf32>
    %add3A = arith.addf %reduce_max3A_2, %log3A : vector<1024xf32>
    %swap3A = arith.constant 0 : index
    %swap3A_5 = vector.load %arg1[%swap3A] : memref<1024xf32, #tpu.memory_space<vmem>>, vector<1024xf32>
    tpu.vector_store %arg1[%swap3A], %add3A {strides = array<i32>} : memref<1024xf32, #tpu.memory_space<vmem>>, vector<1024xf32>,
    return
  }
}

module attributes {stable_mosaic.version = 14 : i64} {
  func.func @_loss_body(%arg0: memref<32x16xf32, #tpu.memory_space<vmem>>, %arg1: memref<1x1xf32, #tpu.memory_space<vmem>>) attributes {dimension_semantics = [], scalar_prefetch = 0 : i64, scratch_operands = 0 : i64, tpu.core_type = #tpu.core_type<tc>} {
    %get3A = arith.constant 0 : index
    %get3A_0 = arith.constant 0 : index
    %get3A_1 = vector.load %arg0[%get3A, %get3A_0] : memref<32x16xf32, #tpu.memory_space<vmem>>, vector<32x16xf32>
    %reduce_sum3A = vector.shape_cast %get3A_1 : vector<32x16xf32> to vector<1x32x16xf32>
    %reduce_sum3A_2 = arith.constant dense<0.000000e+00> : vector<1xf32>
    %reduce_sum3A_3 = vector.multi_reduction <add>, %reduce_sum3A, %reduce_sum3A_2 [1, 2] : vector<1x32x16xf32> to vector<1xf32>
    %reduce_sum3A_4 = vector.shape_cast %reduce_sum3A_3 : vector<1xf32> to vector<1x1x1xf32>
    %reduce_sum3A_5 = vector.extract %reduce_sum3A_4[0, 0, 0] : f32 from vector<1x1x1xf32>
    %broadcast_in_dim3A = arith.constant 4.88281239E-6 : f32
    %broadcast_in_dim3A_6 = vector.broadcast %broadcast_in_dim3A : f32 to vector<1x1xf32>
    %mul3A = vector.broadcast %reduce_sum3A_5 : f32 to vector<1x1xf32>
    %mul3A_7 = arith.mulf %broadcast_in_dim3A_6, %mul3A : vector<1x1xf32>
    %swap3A = arith.constant 0 : index
    %swap3A_8 = arith.constant 0 : index
    %swap3A_9 = vector.load %arg1[%swap3A, %swap3A_8] : memref<1x1xf32, #tpu.memory_space<vmem>>, vector<1x1xf32>
    tpu.vector_store %arg1[%swap3A, %swap3A_8], %mul3A_7 {strides = array<i32>} : memref<1x1xf32, #tpu.memory_space<vmem>>, vector<1x1xf32>,
    return
  }
}

</mosaic_0001>

<sc_bundles>
// kernel: kernel.5.cloned.1.call-start
scs
__scs_entry_jumppad:
0x0: {  	(pc) =	sbr.rel $0x88, $3  }
0x1: {  	(tag) =	ssettag $0x0;
	lr =	simm.s32 $0x1  }
0x2: {  	[smem:$0x3F9E] =	sst lr;
	_ =	strace $0xD0000000  }
0x3: {  	_ = 	snop  }
0x4: {  	_ = 	snop  }
0x5: {  	_ = 	snop  }
0x6: {  	_ = 	snop  }
0x7: {  	_ = 	snop  }
__scs_overlays_trampoline_lowered:
0x8: {  	[smem:$0x3FAD] =	sst s0  }
0x9: {  	[smem:$0x3FAE] =	sst s1  }
0xa: {  	[smem:$0x3FAF] =	sst s2  }
0xb: {  	[smem:$0x3FB0] =	sst s3  }
0xc: {  	[smem:$0x3FB1] =	sst s4  }
0xd: {  	[smem:$0x3FB2] =	sst s5  }
0xe: {  	[smem:$0x3FB3] =	sst s6  }
0xf: {  	[smem:$0x3FB4] =	sst s7  }
0x10: {  	[smem:$0x3FB5] =	sst s8  }
0x11: {  	[smem:$0x3FB6] =	sst s9;
	s0 =	simm.s32 @!p0 $0x0  }
0x12: {  	s1 =	sld [smem:$0x3F9C];
	s0 =	simm.s32 @p0 $0x1  }
0x13: {  	[smem:$0x3FB7] =	sst s0;
	s0 =	simm.s32 @!p1 $0x0  }
0x14: {  	s2 =	sld [smem:$0x3F9B];
	s0 =	simm.s32 @p1 $0x1  }
0x15: {  	[smem:$0x3FB8] =	sst s0;
	s0 =	simm.s32 @!p2 $0x0  }
0x16: {  	s3 =	sld [smem:$0x3FDB];
	s0 =	simm.s32 @p2 $0x1  }
0x17: {  	s4 =	simm.s32 $0x1BF5;
	[smem:$0x3FBA] =	sst s0  }
0x18: {  	s0 =	sld [smem:$0x3F9D];
	_ =	swait.ge [sflag:s4], $0x0  }
0x19: {  	s7 =	sld [smem:$0x3F9E]  }
0x1a: {  	s8 =	sadd.s32 $0xFFFFE003, lr  }
0x1b: {  	s9 =	sadd.s32 $0xFFFFFEF7, lr;
	s5 =	simm.s32 $0xFFFFFFFF;
	p2 =	slt.u32 s8, $0xFFFFF086  }
0x1c: {  	p1 =	slt.u32 s9, $0xF7A;
	s5 =	simm.s32 @!p2 $0x0  }
0x1d: {  	s5 =	simm.s32 @p1 $0x1;
	p0 =	seq.s32 s7, s2  }
0x1e: {  	s7 =	smul.u32 @!p0 $0xF7A, s2;
	p2 =	seq.s32 @!p0 s5, $0x0  }
0x1f: {  	s9 =	smul.u32 $0xF7A, s1;
	s8 =	simm.s32 @!p0 $0x1BF5;
	p2 =	por !p2, p0  }
0x20: {  	[sflag:s8] =	ssyncset.s32 @!p0 $0xFFFFF086;
	s6 =	sadd.s32 @!p0 s3, s7;
	s7 =	simm.s32 @!p0 $0x108  }
0x21: {  	s3 =	sadd.s32 s3, s9;
	s6 =	sadd.s32 @!p0 $0x88, s6;
	s7 =	simm.s32 @p2 $0x1082  }
0x22: {  	[simem:s7], [sflag:s8] =	dma.local @!p0 [hbm:s6], $0xF7A  }
0x23: {  	s9 =	sor.u32 $0xD0000000, s2;
	s6 =	simm.s32 $0x108;
	_ =	swait.ge @!p0 [sflag:s8], $0x0  }
0x24: {  	s3 =	sadd.s32 $0x88, s3;
	s6 =	simm.s32 @!p1 $0x1082;
	[sflag:s4] =	ssyncset.s32 $0xFFFFF086  }
0x25: {  	[simem:s6], [sflag:s4] =	dma.local [hbm:s3], $0xF7A  }
0x26: {  	[smem:$0x3F9E] =	sst s1;
	(tag) =	ssettag s2;
	_ =	strace s9  }
0x27: {  	s1 =	sld [smem:$0x3FAE]  }
0x28: {  	s2 =	sld [smem:$0x3FAF]  }
0x29: {  	s4 =	sld [smem:$0x3FB1]  }
0x2a: {  	p0 =	seq.s32 s5, $0x0;
	s5 =	sld [smem:$0x3FB2]  }
0x2b: {  	s6 =	sld [smem:$0x3FB3]  }
0x2c: {  	s7 =	sld [smem:$0x3FB4]  }
0x2d: {  	s3 =	simm.s32 $0x108;
	s8 =	sld [smem:$0x3FB5]  }
0x2e: {  	s3 =	simm.s32 @!p0 $0x1082;
	s9 =	sld [smem:$0x3FB6]  }
0x2f: {  	lr =	sadd.s32 s0, s3;
	s0 =	sld [smem:$0x3FAD]  }
0x30: {  	s3 =	sld [smem:$0x3FB0]  }
0x31: {  	[smem:$0x3FB9] =	sst s10  }
0x32: {  	s10 =	sld [smem:$0x3FB7];
	_ =	sdelay $0x3  }
0x33: {  	p0 =	seq.s32 s10, $0x1;
	s10 =	sld [smem:$0x3FB9];
	_ =	sdelay $0x3  }
0x34: {  	[smem:$0x3FB9] =	sst s10  }
0x35: {  	s10 =	sld [smem:$0x3FB8];
	_ =	sdelay $0x3  }
0x36: {  	p1 =	seq.s32 s10, $0x1;
	s10 =	sld [smem:$0x3FB9];
	_ =	sdelay $0x3  }
0x37: {  	[smem:$0x3FB9] =	sst s10  }
0x38: {  	s10 =	sld [smem:$0x3FBA]  }
0x39: {  	_ = 	snop;
	(pc) =	sbr.ind lr, $3  }
0x3a: {  	_ = 	snop  }
0x3b: {  	_ = 	snop  }
0x3c: {  	p2 =	seq.s32 s10, $0x1;
	s10 =	sld [smem:$0x3FB9]  }
0x3d: {  	_ =	shalt  }
0x3e: {  	_ =	shalt  }
0x3f: {  	_ =	shalt  }
0x40: {  	_ =	shalt  }
0x41: {  	_ =	shalt  }
0x42: {  	_ =	shalt  }
0x43: {  	_ =	shalt  }
0x44: {  	_ =	shalt  }
0x45: {  	_ =	shalt  }
0x46: {  	_ =	shalt  }
0x47: {  	_ =	shalt  }
0x48: {  	_ =	shalt  }
0x49: {  	_ =	shalt  }
0x4a: {  	_ =	shalt  }
0x4b: {  	_ =	shalt  }
0x4c: {  	_ =	shalt  }
0x4d: {  	_ =	shalt  }
0x4e: {  	_ =	shalt  }
0x4f: {  	_ =	shalt  }
0x50: {  	_ =	shalt  }
0x51: {  	_ =	shalt  }
0x52: {  	_ =	shalt  }
0x53: {  	_ =	shalt  }
0x54: {  	_ =	shalt  }
0x55: {  	_ =	shalt  }
0x56: {  	_ =	shalt  }
0x57: {  	_ =	shalt  }
0x58: {  	_ =	shalt  }
0x59: {  	_ =	shalt  }
0x5a: {  	_ =	shalt  }
0x5b: {  	_ =	shalt  }
0x5c: {  	_ =	shalt  }
0x5d: {  	_ =	shalt  }
0x5e: {  	_ =	shalt  }
0x5f: {  	_ =	shalt  }
0x60: {  	_ =	shalt  }
0x61: {  	_ =	shalt  }
0x62: {  	_ =	shalt  }
0x63: {  	_ =	shalt  }
0x64: {  	_ =	shalt  }
0x65: {  	_ =	shalt  }
0x66: {  	_ =	shalt  }
0x67: {  	_ =	shalt  }
0x68: {  	_ =	shalt  }
0x69: {  	_ =	shalt  }
0x6a: {  	_ =	shalt  }
0x6b: {  	_ =	shalt  }
0x6c: {  	_ =	shalt  }
0x6d: {  	_ =	shalt  }
0x6e: {  	_ =	shalt  }
0x6f: {  	_ =	shalt  }
0x70: {  	_ =	shalt  }
0x71: {  	_ =	shalt  }
0x72: {  	_ =	shalt  }
0x73: {  	_ =	shalt  }
0x74: {  	_ =	shalt  }
0x75: {  	_ =	shalt  }
0x76: {  	_ =	shalt  }
0x77: {  	_ =	shalt  }
0x78: {  	_ =	shalt  }
0x79: {  	_ =	shalt  }
0x7a: {  	_ =	shalt  }
0x7b: {  	_ =	shalt  }
0x7c: {  	_ =	shalt  }
0x7d: {  	_ =	shalt  }
0x7e: {  	_ =	shalt  }
0x7f: {  	_ =	shalt  }
0x80: {  	_ =	shalt  }
0x81: {  	_ =	shalt  }
0x82: {  	_ =	shalt  }
0x83: {  	_ =	shalt  }
0x84: {  	_ =	shalt  }
0x85: {  	_ =	shalt  }
0x86: {  	_ =	shalt  }
0x87: {  	_ =	shalt  }
.Lfunc_end0:
.L_simem_size_0:
called_computation_lowered:
.L_overlay_start_0:
0x88: {  	s2 =	sld [smem:$0x3FD9]  }
0x89: {  	s3 =	sld [smem:$0x3FFE];
	_ =	sdelay $0x1  }
0x8a: {  	s1 =	srdreg.scid  }
0x8b: {  	s0 =	sand.u32 $0x1, s1  }
0x8c: {  	s14 =	sshll.u32 s0, $0xA;
	s2 =	sadd.s32 s3, s2  }
0x8d: {  	s2 =	sadd.s32 s2, s14  }
0x8e: {  	[smem:$0x3FC5] =	sst s2  }
0x8f: {  	_ = 	snop  }
0x90: {  	s2 =	sld [smem:$0x3FD0];
	_ =	sdelay $0x2  }
0x91: {  	s15 =	simm.s32 $0xA;
	s4 =	simm.s32 $0x10  }
0x92: {  	[smem:s4], [sflag:s15] =	dma.local [hbm:s2], $0x1  }
0x93: {  	_ =	swait.eq [sflag:s15], $0x1  }
0x94: {  	[sflag:s15] =	ssyncset.done $0x0  }
0x95: {  	[sflag:s15] =	ssyncadd.s32 $0xFFFFFFFF  }
0x96: {  	s16 =	sld [smem:$0x10];
	(tm) =	ssettm $0x1  }
0x97: {  	s17 =	sld [smem:$0x3FFB];
	_ =	sdelay $0x3  }
0x98: {  	_ =	strace s17  }
0x99: {  	s3 =	sld [smem:$0x3FFC];
	_ =	sdelay $0x3  }
0x9a: {  	_ =	strace s3  }
0x9b: {  	s3 =	sld [smem:$0x3FFD];
	_ =	sdelay $0x3  }
0x9c: {  	_ =	strace s3  }
0x9d: {  	_ =	strace $0x8FFFFFFF  }
0x9e: {  	s18 =	sld [smem:$0x3FDB];
	_ =	sdelay $0x1  }
0x9f: {  	s19 =	simm.s32 $_scs_section_size  }
0xa0: {  	s5 =	simm.s32 $_size__tile_overlayer_lowered;
	s6 =	simm.s32 $_tile_overlayer_lowered  }
0xa1: {  	s22 =	simm.s32 $0x1BFF;
	s21 =	sshll.u32 s6, $0x1;
	s3 =	sadd.s32 s19, s18  }
0xa2: {  	s7 =	simm.s32 $0x0;
	s20 =	sshll.u32 s5, $0x1;
	s5 =	sadd.s32 s21, s3  }
0xa3: {  	[timem:s7], [sflag:s22] =	dma.local [hbm:s5], s20  }
0xa4: {  	_ =	swait.ge [sflag:s22], s20  }
0xa5: {  	s4 =	ssub.s32 $0x0, s20;
	[sflag:s22] =	ssyncset.done $0x0  }
0xa6: {  	[sflag:s22] =	ssyncadd.s32 s4;
	_ =	sdelay $0x1  }
0xa7: {  	s23 =	simm.s32 $0x1B8B  }
0xa8: {  	_ =	swait.ge [sflag:s23], $0x1  }
0xa9: {  	[sflag:s23] =	ssyncset.done $0x0  }
0xaa: {  	s25 =	simm.s32 $0x1B8E;
	s24 =	sld [smem:$0x3FFE];
	[sflag:s23] =	ssyncadd.s32 $0xFFFFFFFF  }
0xab: {  	s26 =	simm.s32 $execute0_lowered;
	[smem:$0x3FD2] =	sst s25  }
0xac: {  	s5 =	sshll.u32 s26, $0x1;
	_ =	strace $0x80000046;
	[dreg:$0x1] =	wrdreg $0xFFFFFFFF  }
0xad: {  	s28 =	simm.s32 $_size_execute0_lowered;
	s3 =	sadd.s32 s3, s5;
	[dreg:$0x0] =	wrdreg $0x0  }
0xae: {  	s5 =	sshll.u32 s28, $0x1;
	[dreg:$0x2] =	wrdreg s3  }
0xaf: {  	[dreg:$0x3] =	wrdreg s5  }
0xb0: {  	[dreg:$0x4] =	wrdreg $0xC0  }
0xb1: {  	_ =	task [dreg:s7], $0x5FFFF  }
0xb2: {  	[dreg:$0x1] =	wrdreg $0xFFFFFFFF  }
0xb3: {  	[dreg:$0x0] =	wrdreg $0x60  }
0xb4: {  	[dreg:$0x2] =	wrdreg s24  }
0xb5: {  	[dreg:$0x3] =	wrdreg s16  }
0xb6: {  	[dreg:$0x4] =	wrdreg $0x9  }
0xb7: {  	_ =	task.clear_ibuf [dreg:s7], $0x5FFFF;
	_ =	strace $0x90000046  }
0xb8: {  	s29 =	simm.s32 $0x9;
	_ =	strace $0x80000048  }
0xb9: {  	_ =	swait.ge [sflag:s29], $0x1  }
0xba: {  	[sflag:s29] =	ssyncadd.s32 $0xFFFFFFFF  }
0xbb: {  	_ =	strace $0x90000048  }
0xbc: {  	_ =	sfence  }
0xbd: {  	s30 =	sld [smem:$0x0];
	_ =	sdelay $0x2  }
0xbe: {  	s31 =	sshll.u32 s1, $0xD;
	s1 =	sshrl.u32 s1, $0x2  }
0xbf: {  	s3 =	sand.u32 $0x4000, s31;
	s1 =	sadd.s32 s1, s30  }
0xc0: {  	s0 =	sor.u32 s3, s0;
	s1 =	sshll.u32 s1, $0x11  }
0xc1: {  	s0 =	sor.u32 s1, s0  }
0xc2: {  	s0 =	sadd.s32 $0x8F2B, s0  }
0xc3: {  	[sflag:s0] =	ssyncadd.remote.s32 $0x1  }
0xc4: {  	_ =	sfence.sel $0xFFFF  }
0xc5: {  	[dreg:$0x0] =	wrdreg $0xFFFFFFFF;
	(pc) =	sbr.abs _section_cstart, $3  }
0xc6: {  	[dreg:$0x1] =	wrdreg $0xFFFFFFFF  }
0xc7: {  	_ =	task.clear_ibuf [dreg:s7], $0x2FFFF;
	_ =	strace $0x9FFFFFFF  }
0xc8: {  	(tm) =	ssettm $0x7FFFFFFF  }
0xc9: {  	_ =	shalt  }
tec
execute0_lowered:
.L_overlay_start_1:
0x0: {  	(tag) =	ssettag $0x1  }
0x1: {  	s0 =	srdreg.scid  }
0x2: {  	s2 =	stileid.u32;
	s6 =	rddreg [dreg:$0x0];
	s3 =	simm.s32 $0x0  }
0x3: {  	s15 =	simm.s32 $0x3;
	s17 =	simm.s32 $0x3200;
	s18 =	simm.s32 $0x3600  }
0x4: {  	s1 =	sshll.u32 s2, $0x1;
	s4 =	sshrl.u32 s2, $0x2;
	s2 =	rddreg [dreg:$0x1]  }
0x5: {  	s0 =	sand.u32 $0x1, s0;
	[smem:$0x7FF] =	sst s3;
	s25 =	sadd.s32 $0xDA00, s6  }
0x6: {  	s1 =	sor.u32 s0, s1;
	s7 =	smul.u32 $0xC800, s4;
	_ =	strace $0x80000047  }
0x7: {  	s8 =	sshll.u32 s4, $0xA;
	s0 =	ssub.s32 $0x2, s0;
	s5 =	sshll.u32 s1, $0x7  }
0x8: {  	s4 =	sadd.s32 $0xDC00, s6;
	s28 =	sshrl.u32 s0, $0x1;
	s5 =	sand.u32 $0x380, s5  }
0x9: {  	[dreg:$0x3] =	wrdreg s25;
	s0 =	ssub.s32 s0, s28;
	s7 =	sor.u32 s7, s5  }
0xa: {  	s5 =	sor.u32 s8, s5;
	s0 =	smax.u32 s0, $0x1;
	s7 =	sshrl.u32 s7, $0x3  }
0xb: {  	s8 =	sshrl.u32 s5, $0x3;
	s5 =	smul.u32 $0xC800, s1;
	[dreg:$0x9] =	wrdreg s0  }
0xc: {  	s7 =	sadd.s32 s7, s6;
	s26 =	sadd.s32 s8, s6;
	s6 =	sadd.s32 $0x2CC00, s6  }
0xd: {  	s19 =	simm.s32 $0x5600;
	s29 =	sadd.s32 $0x1200, s7;
	[dreg:$0x6] =	wrdreg s6  }
0xe: {  	s30 =	sshrl.u32 s5, $0x3;
	s7 =	sadd.s32 $0x7600, s7;
	[dreg:$0x4] =	wrdreg s29  }
0xf: {  	s1 =	sadd.s32 $0x2DC00, s26;
	[dreg:$0x5] =	wrdreg s7;
	s31 =	sadd.s32 s2, s30  }
0x10: {  	s20 =	simm.s32 $0x11E00;
	[dreg:$0x8] =	wrdreg s1;
	s6 =	sadd.s32 $0x1838000, s31  }
0x11: {  	s21 =	simm.s32 $0x1;
	s24 =	simm.s32 $0x0;
	[dreg:$0x7] =	wrdreg s6  }
.LBB2_1:
0x12: {  	s0 =	rddreg [dreg:$0x4];
	s1 =	simm.s32 $0x80;
	s6 =	simm.s32 $0x400  }
0x13: {  	[tilespmem:s3], [sflag:$0x3] =	stream.strided.gather [hbm4b:s0+s1], $0x1900, s6, s1, $0x38;
	[tilespmem:$0x1E680] =	vst v63  }
0x14: {  	_ =	swait.ge [sflag:s15], $0x1900  }
0x15: {  	[sflag:s15] =	ssyncset.done $0x0  }
0x16: {  	s7 =	simm.s32 $0x1900;
	s28 =	rddreg [dreg:$0x5];
	[sflag:s15] =	ssyncadd.s32 $0xFFFFE700  }
0x17: {  	[tilespmem:s7], [sflag:$0x3] =	stream.strided.gather [hbm4b:s28+s1], $0x1900, s6, s1, $0x38;
	[tilespmem:$0x1E680] =	vst v63  }
0x18: {  	_ =	swait.ge [sflag:s15], $0x1900  }
0x19: {  	[sflag:s15] =	ssyncset.done $0x0  }
0x1a: {  	s29 =	rddreg [dreg:$0x3];
	[sflag:s15] =	ssyncadd.s32 $0xFFFFE700  }
0x1b: {  	[tilespmem:s17], [sflag:$0x3] =	stream.linear.gather [hbm4b:s29+s3], $0x400, $0x38;
	[tilespmem:$0x1E680] =	vst v63  }
0x1c: {  	_ =	swait.ge [sflag:s15], $0x400  }
0x1d: {  	[sflag:s15] =	ssyncset.done $0x0  }
0x1e: {  	s30 =	simm.s32 $0x10;
	[sflag:s15] =	ssyncadd.s32 $0xFFFFFC00  }
0x1f: {  	v0 =	vld [tilespmem:s30+$0xFFFFFFF0];
	_ =	sdelay $0x3  }
0x20: {  	v3 =	vld [tilespmem:s30+$0x0];
	_ =	sdelay $0x3  }
0x21: {  	s31 =	simm.s32 $0x30;
	v5 =	vld.idx.msk [tilespmem:v0+s17+$0x0], $0xffff  }
0x22: {  	v0 =	vld [tilespmem:s31+$0xFFFFFFF0]  }
0x23: {  	s0 =	simm.s32 $0x50;
	v2 =	vld [tilespmem:s31+$0x0]  }
0x24: {  	v1 =	vld [tilespmem:s0+$0xFFFFFFF0]  }
0x25: {  	v4 =	vld.idx.msk [tilespmem:v3+s17+$0x0], $0xffff;
	_ =	sdelay $0x1  }
0x26: {  	v11 =	vimm.f32 $0.0e+00  }
0x27: {  	v5 =	vadd.f32 v5, v11  }
0x28: {  	s1 =	simm.s32 $0x4;
	v3 =	vld [tilespmem:s0+$0x0]  }
.LBB2_2:
0x29: {  	s1 =	sadd.s32 $0x2, s1;
	s0 =	sadd.s32 $0x20, s0;
	v6 =	vld.idx.msk [tilespmem:v0+s17+$0x0], $0xffff;
	v5 =	vadd.f32 v4, v5;
	v0 =	vmov v1  }
0x2a: {  	v1 =	vld [tilespmem:s0+$0xFFFFFFF0];
	p0 =	slt.u32 s1, $0x18E  }
0x2b: {  	v4 =	vld.idx.msk [tilespmem:v2+s17+$0x0], $0xffff  }
.Ltmp0:
0x2c: {  	(pc) =	sbr.rel @p0 .LBB2_2-.Ltmp0, $3  }
0x2d: {  	v2 =	vmov v3;
	_ =	sdelay $0x1  }
0x2e: {  	v5 =	vadd.f32 v6, v5  }
0x2f: {  	v3 =	vld [tilespmem:s0+$0x0]  }
0x30: {  	_ =	sdelay $0x3  }
0x31: {  	v0 =	vld.idx.msk [tilespmem:v0+s17+$0x0], $0xffff;
	_ =	sdelay $0x1  }
0x32: {  	v2 =	vld.idx.msk [tilespmem:v2+s17+$0x0], $0xffff  }
0x33: {  	v4 =	vadd.f32 v4, v5  }
0x34: {  	v1 =	vld.idx.msk [tilespmem:v1+s17+$0x0], $0xffff  }
0x35: {  	v0 =	vadd.f32 v0, v4  }
0x36: {  	v3 =	vld.idx.msk [tilespmem:v3+s17+$0x0], $0xffff  }
0x37: {  	v0 =	vadd.f32 v2, v0;
	_ =	sdelay $0x1  }
0x38: {  	v0 =	vadd.f32 v1, v0  }
0x39: {  	v15 =	vimm.f32 $0.0e+00  }
0x3a: {  	s25 =	simm.s32 $0x0;
	v17 =	vimm.f32 $0.0e+00;
	v19 =	vimm.f32 $0.0e+00;
	s26 =	simm.s32 $0x0;
	v0 =	vadd.f32 v3, v0  }
.LBB2_4:
0x3b: {  	p0 =	seq.s32 s26, $0x0  }
0x3c: {  	s0 =	simm.s32 @!p0 $0x1  }
0x3d: {  	_ =	swait.ge @!p0 [sflag:s0], $0xC800  }
0x3e: {  	s1 =	sshll.u32 s26, $0xB;
	[sflag:s0] =	ssyncset.done @!p0 $0x0  }
0x3f: {  	s9 =	sadd.s32 s4, s1;
	[sflag:s0] =	ssyncadd.s32 @!p0 $0xFFFF3800  }
0x40: {  	[tilespmem:s18], [sflag:$0x3] =	stream.linear.gather [hbm4b:s9+s25], $0x2000, $0x38;
	[tilespmem:$0x1E680] =	vst v63  }
0x41: {  	_ =	swait.ge [sflag:s15], $0x2000  }
0x42: {  	[sflag:s15] =	ssyncset.done $0x0  }
0x43: {  	[sflag:s15] =	ssyncadd.s32 $0xFFFFE000  }
0x44: {  	s10 =	sand.u32 $0x60, s25;
	v2 =	vld [tilespmem:s25+$0x0]  }
0x45: {  	s6 =	sand.u32 $0x1F80, s25;
	s11 =	sor.u32 $0x10, s10  }
0x46: {  	s6 =	sor.u32 s6, s11  }
0x47: {  	v18 =	vld [tilespmem:s6+$0x0];
	_ =	sdelay $0x4  }
0x48: {  	v20 =	vld.idx.msk [tilespmem:v2+s18+$0x0], $0xffff  }
0x49: {  	v1 =	vadd.s32 $0x400, v2  }
0x4a: {  	s7 =	sand.u32 $0xFC00, s25  }
0x4b: {  	s8 =	simm.s32 $0x1900;
	s7 =	sadd.s32 $0x5600, s7;
	v24 =	vld.idx.msk [tilespmem:v18+s18+$0x0], $0xffff  }
0x4c: {  	v8 =	vld [tilespmem:s8+$0x0];
	s8 =	sor.u32 s10, s7;
	v3 =	vadd.s32 $0x400, v18  }
0x4d: {  	[tilespmem:s8+$0x0] =	vst v20  }
0x4e: {  	v31 =	vld.idx.msk [tilespmem:v1+s18+$0x0], $0xffff  }
0x4f: {  	s13 =	simm.s32 $0x20;
	s12 =	sor.u32 s11, s7;
	v27 =	vld [tilespmem:s6+$0x1900];
	v1 =	vadd.s32 $0x800, v2  }
0x50: {  	s14 =	sand.u32 $0x60, s13;
	v14 =	vld [tilespmem:s13+$0x0];
	[tilespmem:s12+$0x0] =	vst v24  }
0x51: {  	s0 =	sand.u32 $0x1F80, s13;
	s9 =	sor.u32 $0x10, s14;
	v34 =	vld.idx.msk [tilespmem:v3+s18+$0x0], $0xffff  }
0x52: {  	s10 =	sor.u32 s0, s9;
	v3 =	vadd.s32 $0x800, v18  }
0x53: {  	v16 =	vld [tilespmem:s10+$0x0];
	[tilespmem:s8+$0x80] =	vst v31  }
0x54: {  	v35 =	vld.idx.msk [tilespmem:v1+s18+$0x0], $0xffff  }
0x55: {  	v1 =	vadd.s32 $0xC00, v2  }
0x56: {  	[tilespmem:s12+$0x80] =	vst v34  }
0x57: {  	v37 =	vld.idx.msk [tilespmem:v3+s18+$0x0], $0xffff  }
0x58: {  	s11 =	simm.s32 $0x1920;
	v4 =	vadd.s32 $0xC00, v18;
	v3 =	vld.idx.msk [tilespmem:v14+s18+$0x0], $0xffff  }
0x59: {  	s1 =	simm.s32 $0x100;
	v9 =	vld [tilespmem:s11+$0x0];
	v6 =	vadd.s32 $0x400, v14;
	[tilespmem:s8+$0x100] =	vst v35  }
0x5a: {  	s30 =	simm.s32 $0x40;
	s16 =	sand.u32 $0xFC00, s1;
	v40 =	vld.idx.msk [tilespmem:v1+s18+$0x0], $0xffff  }
0x5b: {  	s13 =	sadd.s32 $0x5600, s16;
	v23 =	vld [tilespmem:s30+$0x0];
	v1 =	vadd.s32 $0x1000, v2  }
0x5c: {  	s0 =	sor.u32 s14, s13;
	v5 =	vld.idx.msk [tilespmem:v16+s18+$0x0], $0xffff;
	[tilespmem:s12+$0x100] =	vst v37  }
0x5d: {  	[tilespmem:s0+$0x0] =	vst v3;
	v41 =	vld.idx.msk [tilespmem:v4+s18+$0x0], $0xffff  }
0x5e: {  	v7 =	vadd.s32 $0x1000, v18;
	v4 =	vld.idx.msk [tilespmem:v6+s18+$0x0], $0xffff  }
0x5f: {  	v10 =	vadd.s32 $0x400, v16;
	v6 =	vld [tilespmem:s10+$0x1900];
	s10 =	sand.u32 $0x60, s30;
	[tilespmem:s8+$0x180] =	vst v40  }
0x60: {  	s23 =	sand.u32 $0x1F80, s30;
	v12 =	vadd.s32 $0x800, v14;
	s7 =	sor.u32 $0x10, s10;
	v42 =	vld.idx.msk [tilespmem:v1+s18+$0x0], $0xffff  }
0x61: {  	s29 =	sor.u32 s9, s13;
	s9 =	sor.u32 s23, s7;
	v1 =	vadd.s32 $0x1400, v2  }
0x62: {  	v25 =	vld [tilespmem:s9+$0x0];
	[tilespmem:s12+$0x180] =	vst v41  }
0x63: {  	[tilespmem:s29+$0x0] =	vst v5;
	v21 =	vld.idx.msk [tilespmem:v7+s18+$0x0], $0xffff  }
0x64: {  	v13 =	vadd.s32 $0x1400, v18;
	[tilespmem:s0+$0x80] =	vst v4;
	v7 =	vld.idx.msk [tilespmem:v10+s18+$0x0], $0xffff  }
0x65: {  	v28 =	vadd.s32 $0x800, v16;
	v10 =	vld.idx.msk [tilespmem:v12+s18+$0x0], $0xffff;
	[tilespmem:s8+$0x200] =	vst v42  }
0x66: {  	v33 =	vadd.s32 $0xC00, v14;
	v43 =	vld.idx.msk [tilespmem:v1+s18+$0x0], $0xffff  }
0x67: {  	v29 =	vadd.s32 $0x1800, v2;
	v26 =	vadd.s32 $0x1800, v14;
	v38 =	vadd.s32 $0x1C00, v2  }
0x68: {  	v39 =	vadd.s32 $0x1000, v14;
	v30 =	vadd.s32 $0x1400, v14;
	v44 =	vadd.s32 $0x400, v23;
	v2 =	vld.idx.msk [tilespmem:v23+s18+$0x0], $0xffff;
	[tilespmem:s12+$0x200] =	vst v21  }
0x69: {  	s22 =	sshll.u32 s26, $0x4;
	v32 =	vadd.s32 $0x800, v23;
	v48 =	vadd.s32 $0x1C00, v18;
	v45 =	vadd.s32 $0xC00, v16;
	[tilespmem:s29+$0x80] =	vst v7;
	v22 =	vld.idx.msk [tilespmem:v13+s18+$0x0], $0xffff  }
0x6a: {  	v46 =	vadd.s32 $0x1000, v16;
	[tilespmem:s0+$0x100] =	vst v10;
	v1 =	vmov s22;
	v12 =	vld.idx.msk [tilespmem:v28+s18+$0x0], $0xffff;
	v28 =	vadd.s32 $0x1800, v18  }
0x6b: {  	v49 =	vadd.s32 $0x400, v25;
	v13 =	vld.idx.msk [tilespmem:v33+s18+$0x0], $0xffff;
	v33 =	vadd.s32 $0x800, v25;
	v36 =	vsub.s32 v8, v1;
	[tilespmem:s8+$0x280] =	vst v43  }
0x6c: {  	vm6 =	veq.s32 v8, v1;
	vm12 =	veq.s32 v27, v1;
	vm8 =	veq.s32 v36, $0x4;
	v47 =	vld.idx.msk [tilespmem:v29+s18+$0x0], $0xffff  }
0x6d: {  	s11 =	sand.u32 $0x3, s25;
	s13 =	simm.s32 $0x1940;
	v18 =	vld.idx.msk [tilespmem:v25+s18+$0x0], $0xffff;
	vm7 =	veq.s32 v36, $0x5;
	vm5 =	veq.s32 v36, $0x6;
	vm11 =	veq.s32 v36, $0x1  }
0x6e: {  	v8 =	vld [tilespmem:s13+$0x0];
	vm10 =	veq.s32 v36, $0x2;
	vm4 =	veq.s32 v36, $0x7;
	vm9 =	veq.s32 v36, $0x3;
	s8 =	sshll.u32 s11, $0x5;
	[tilespmem:s12+$0x280] =	vst v22  }
0x6f: {  	s16 =	simm.s32 $0x200;
	v36 =	vadd.s32 $0x1400, v16;
	v62 =	vnsel vm6, $0x0, v20;
	v31 =	vnsel vm11, $0x0, v31;
	[tilespmem:s29+$0x100] =	vst v12;
	s6 =	sadd.s32 $0x0, s8;
	v28 =	vld.idx.msk [tilespmem:v28+s18+$0x0], $0xffff  }
0x70: {  	v35 =	vnsel vm10, $0x0, v35;
	v63 =	vnsel vm9, $0x0, v40;
	s12 =	sand.u32 $0xFC00, s16;
	v29 =	vsub.s32 v27, v1;
	v27 =	vld.idx.msk [tilespmem:v45+s18+$0x0], $0xffff;
	s14 =	sor.u32 $0x300, s6  }
0x71: {  	v20 =	vld [tilespmem:s9+$0x1900];
	v42 =	vnsel vm8, $0x0, v42;
	v17 =	vadd.f32 v31, v17;
	s8 =	sadd.s32 $0x5600, s12;
	vm3 =	veq.s32 v29, $0x4;
	[tilespmem:s14+$0x5600] =	vst v47  }
0x72: {  	[tilespmem:s0+$0x180] =	vst v13;
	vm2 =	veq.s32 v29, $0x5;
	vm1 =	veq.s32 v29, $0x6;
	vm0 =	veq.s32 v29, $0x7;
	s22 =	sadd.s32 $0x10, s6;
	s14 =	sor.u32 s10, s8;
	v50 =	vld.idx.msk [tilespmem:v38+s18+$0x0], $0xffff  }
0x73: {  	vm13 =	veq.s32 v29, $0x1;
	vm14 =	veq.s32 v29, $0x2;
	vm15 =	veq.s32 v29, $0x3;
	v29 =	vld.idx.msk [tilespmem:v39+s18+$0x0], $0xffff;
	s23 =	sor.u32 $0x300, s22;
	[tilespmem:s14+$0x0] =	vst v2  }
0x74: {  	v19 =	vadd.f32 v62, v19;
	v43 =	vnsel vm7, $0x0, v43;
	[tilespmem:s23+$0x5600] =	vst v28;
	v38 =	vnsel vm12, $0x0, v24;
	v24 =	vld.idx.msk [tilespmem:v44+s18+$0x0], $0xffff  }
0x75: {  	v45 =	vadd.f32 v43, v17;
	v39 =	vnsel vm13, $0x0, v34;
	v40 =	vnsel vm15, $0x0, v41;
	s8 =	sor.u32 s7, s8;
	[tilespmem:s29+$0x180] =	vst v27;
	v41 =	vld.idx.msk [tilespmem:v48+s18+$0x0], $0xffff  }
0x76: {  	s28 =	sshllo.u32 s26, $0x1;
	s6 =	sor.u32 $0x380, s6;
	v37 =	vnsel vm14, $0x0, v37;
	s31 =	sor.u32 $0x380, s22;
	[tilespmem:s8+$0x0] =	vst v18;
	v31 =	vld.idx.msk [tilespmem:v46+s18+$0x0], $0xffff;
	v46 =	vadd.f32 v35, v15;
	v44 =	vadd.f32 v63, v11  }
0x77: {  	s23 =	simm.s32 $0x4;
	s7 =	simm.s32 $0x60;
	v48 =	vnsel vm5, $0x0, v47;
	v47 =	vadd.f32 v42, v19;
	v11 =	vld.idx.msk [tilespmem:v49+s18+$0x0], $0xffff;
	[tilespmem:s6+$0x5600] =	vst v50;
	v49 =	vnsel vm4, $0x0, v50;
	s6 =	simm.s32 $0x0  }
.LBB2_5:
0x78: {  	v19 =	vld [tilespmem:s7+$0x0];
	s30 =	sadd.s32 $0x20, s30;
	[tilespmem:s0+$0x200] =	vst v29;
	v34 =	vadd.f32 v48, v46;
	v43 =	vadd.f32 v49, v44;
	v21 =	vnsel vm3, $0x0, v21;
	v17 =	vmovc v27  }
0x79: {  	v22 =	vnsel vm2, $0x0, v22;
	s11 =	sand.u32 $0x60, s30;
	[tilespmem:s14+$0x80] =	vst v24;
	v15 =	vld.idx.msk [tilespmem:v30+s18+$0x0], $0xffff;
	v27 =	vadd.f32 v38, v47;
	v30 =	vadd.f32 v39, v45  }
0x7a: {  	s23 =	sadd.s32 $0x2, s23;
	v28 =	vnsel vm1, $0x0, v28;
	v35 =	vmovc v18;
	s10 =	sand.u32 $0x1F80, s30;
	s9 =	sor.u32 $0x10, s11;
	v42 =	vld.idx.msk [tilespmem:v32+s18+$0x0], $0xffff;
	v32 =	vadd.f32 v37, v34;
	v34 =	vadd.f32 v40, v43  }
0x7b: {  	p1 =	slt.u32 s23, $0x18E;
	v18 =	vnsel vm0, $0x0, v41;
	v40 =	vmovc v29;
	s10 =	sor.u32 s10, s9;
	v43 =	vadd.f32 v21, v27;
	v44 =	vadd.f32 v22, v30;
	[tilespmem:s31+$0x5600] =	vst v41  }
0x7c: {  	v37 =	vmovc v4;
	v27 =	vadd.s32 $0xC00, v23;
	v29 =	vld [tilespmem:s10+$0x0];
	[tilespmem:s29+$0x200] =	vst v31;
	v45 =	vadd.f32 v28, v32;
	v34 =	vadd.f32 v18, v34  }
0x7d: {  	vm6 =	veq.s32 v9, v1;
	v4 =	vmovc v24;
	v21 =	vmov v31;
	v31 =	vmov v7;
	[tilespmem:s8+$0x80] =	vst v11;
	v22 =	vld.idx.msk [tilespmem:v36+s18+$0x0], $0xffff  }
0x7e: {  	v38 =	vadd.s32 $0x1C00, v14;
	v14 =	vmovc v23;
	v24 =	vsub.s32 v9, v1;
	v18 =	vadd.s32 $0x1800, v23;
	v23 =	vmovc v19;
	v41 =	vld.idx.msk [tilespmem:v33+s18+$0x0], $0xffff  }
0x7f: {  	v39 =	vadd.s32 $0x1000, v14;
	v9 =	vmovc v8;
	v30 =	vadd.s32 $0x1400, v14;
	v28 =	vadd.s32 $0x1800, v16;
	v7 =	vmovc v11;
	[tilespmem:s0+$0x280] =	vst v15;
	s0 =	smov.u32 s14  }
0x80: {  	v46 =	vadd.s32 $0xC00, v25;
	v11 =	vadd.s32 $0x400, v23;
	v32 =	vadd.s32 $0x800, v23;
	[tilespmem:s0+$0x100] =	vst v42;
	v47 =	vld.idx.msk [tilespmem:v26+s18+$0x0], $0xffff;
	v26 =	vmovc v18  }
0x81: {  	s6 =	sadd.s32 $0x1, s6;
	vm8 =	veq.s32 v24, $0x4;
	vm7 =	veq.s32 v24, $0x5;
	vm4 =	veq.s32 v24, $0x6;
	v48 =	vld.idx.msk [tilespmem:v27+s18+$0x0], $0xffff  }
0x82: {  	s13 =	sadd.s32 $0x20, s13;
	vm11 =	veq.s32 v24, $0x1;
	vm10 =	veq.s32 v24, $0x2;
	vm5 =	veq.s32 v24, $0x7;
	s14 =	sand.u32 $0x3, s6;
	v19 =	vld.idx.msk [tilespmem:v19+s18+$0x0], $0xffff  }
0x83: {  	vm12 =	veq.s32 v6, v1;
	vm9 =	veq.s32 v24, $0x3;
	v24 =	vsub.s32 v6, v1;
	v6 =	vmovc v20;
	s14 =	sshll.u32 s14, $0x5;
	v8 =	vld [tilespmem:s13+$0x0];
	[tilespmem:s29+$0x280] =	vst v22;
	s29 =	smov.u32 s8  }
0x84: {  	v49 =	vadd.s32 $0x1000, v25;
	v50 =	vadd.s32 $0x1C00, v16;
	v16 =	vmovc v25;
	v36 =	vadd.s32 $0x1400, v25;
	v25 =	vmovc v29;
	s8 =	sadd.s32 s14, s1;
	s1 =	smov.u32 s16;
	s16 =	sadd.s32 $0x100, s16;
	[tilespmem:s29+$0x100] =	vst v41;
	v28 =	vld.idx.msk [tilespmem:v28+s18+$0x0], $0xffff  }
0x85: {  	vm3 =	veq.s32 v24, $0x4;
	v51 =	vadd.s32 $0x400, v25;
	v33 =	vadd.s32 $0x800, v25;
	s14 =	sand.u32 $0xFC00, s16;
	s31 =	sor.u32 $0x300, s8;
	s12 =	sor.u32 $0x380, s8;
	v27 =	vld.idx.msk [tilespmem:v46+s18+$0x0], $0xffff  }
0x86: {  	vm2 =	veq.s32 v24, $0x5;
	vm1 =	veq.s32 v24, $0x6;
	vm0 =	veq.s32 v24, $0x7;
	s22 =	sadd.s32 $0x5600, s14;
	v18 =	vld.idx.msk [tilespmem:v29+s18+$0x0], $0xffff;
	[tilespmem:s31+$0x5600] =	vst v47  }
0x87: {  	vm13 =	veq.s32 v24, $0x1;
	vm14 =	veq.s32 v24, $0x2;
	vm15 =	veq.s32 v24, $0x3;
	s14 =	sor.u32 s11, s22;
	[tilespmem:s0+$0x180] =	vst v48;
	v52 =	vld.idx.msk [tilespmem:v38+s18+$0x0], $0xffff  }
0x88: {  	v53 =	vnsel vm11, $0x0, v37;
	s8 =	sadd.s32 $0x10, s8;
	v46 =	vnsel vm6, $0x0, v3;
	v3 =	vmovc v2;
	v38 =	vnsel vm12, $0x0, v5;
	v2 =	vmovc v19;
	[tilespmem:s14+$0x0] =	vst v19;
	v29 =	vld.idx.msk [tilespmem:v39+s18+$0x0], $0xffff  }
.Ltmp1:
0x89: {  	v37 =	vnsel vm14, $0x0, v12;
	v12 =	vmovc v41;
	s11 =	sor.u32 $0x300, s8;
	s31 =	sor.u32 $0x380, s8;
	v39 =	vnsel vm13, $0x0, v31;
	v24 =	vld.idx.msk [tilespmem:v11+s18+$0x0], $0xffff;
	v11 =	vnsel vm10, $0x0, v10;
	v10 =	vmovc v42;
	(pc) =	sbr.rel @p1 .LBB2_5-.Ltmp1, $4  }
0x8a: {  	v5 =	vmovc v35;
	v19 =	vnsel vm9, $0x0, v13;
	v13 =	vmovc v48;
	v42 =	vnsel vm8, $0x0, v40;
	v40 =	vnsel vm15, $0x0, v17;
	v20 =	vld [tilespmem:s10+$0x1900];
	[tilespmem:s11+$0x5600] =	vst v28  }
0x8b: {  	v15 =	vnsel vm7, $0x0, v15;
	s8 =	sor.u32 s9, s22;
	v35 =	vadd.f32 v53, v44;
	v17 =	vadd.f32 v46, v43;
	[tilespmem:s29+$0x180] =	vst v27;
	v41 =	vld.idx.msk [tilespmem:v50+s18+$0x0], $0xffff  }
0x8c: {  	v48 =	vnsel vm4, $0x0, v47;
	v44 =	vadd.f32 v19, v34;
	v46 =	vadd.f32 v11, v45;
	[tilespmem:s8+$0x0] =	vst v18;
	v31 =	vld.idx.msk [tilespmem:v49+s18+$0x0], $0xffff  }
0x8d: {  	s7 =	sadd.s32 $0x20, s7;
	v45 =	vadd.f32 v15, v35;
	v47 =	vadd.f32 v42, v17;
	v49 =	vnsel vm5, $0x0, v52;
	v11 =	vld.idx.msk [tilespmem:v51+s18+$0x0], $0xffff;
	[tilespmem:s12+$0x5600] =	vst v52  }
0x8e: {  	_ =	sdelay $0x2  }
0x8f: {  	[tilespmem:s14+$0x80] =	vst v24  }
0x90: {  	v32 =	vld.idx.msk [tilespmem:v32+s18+$0x0], $0xffff;
	[tilespmem:s8+$0x80] =	vst v11  }
0x91: {  	v15 =	vadd.s32 $0xC00, v23;
	v33 =	vld.idx.msk [tilespmem:v33+s18+$0x0], $0xffff  }
0x92: {  	v17 =	vadd.s32 $0xC00, v25;
	_ =	sdelay $0x2  }
0x93: {  	[tilespmem:s14+$0x100] =	vst v32  }
0x94: {  	v34 =	vld.idx.msk [tilespmem:v15+s18+$0x0], $0xffff;
	[tilespmem:s8+$0x100] =	vst v33  }
0x95: {  	v19 =	vadd.s32 $0x1000, v23;
	v15 =	vld.idx.msk [tilespmem:v17+s18+$0x0], $0xffff  }
0x96: {  	v17 =	vadd.s32 $0x1000, v25;
	_ =	sdelay $0x2  }
0x97: {  	[tilespmem:s14+$0x180] =	vst v34  }
0x98: {  	v35 =	vld.idx.msk [tilespmem:v19+s18+$0x0], $0xffff;
	[tilespmem:s8+$0x180] =	vst v15  }
0x99: {  	v19 =	vadd.s32 $0x1400, v23;
	v17 =	vld.idx.msk [tilespmem:v17+s18+$0x0], $0xffff  }
0x9a: {  	v43 =	vadd.s32 $0x1400, v25  }
0x9b: {  	[tilespmem:s0+$0x200] =	vst v29  }
0x9c: {  	v50 =	vld.idx.msk [tilespmem:v30+s18+$0x0], $0xffff;
	[tilespmem:s29+$0x200] =	vst v31  }
0x9d: {  	v42 =	vld.idx.msk [tilespmem:v36+s18+$0x0], $0xffff;
	[tilespmem:s14+$0x200] =	vst v35  }
0x9e: {  	v60 =	vadd.s32 $0x1800, v16;
	v30 =	vld.idx.msk [tilespmem:v19+s18+$0x0], $0xffff;
	[tilespmem:s8+$0x200] =	vst v17  }
0x9f: {  	v51 =	vadd.s32 $0x1800, v23;
	v19 =	vld.idx.msk [tilespmem:v43+s18+$0x0], $0xffff  }
0xa0: {  	v52 =	vadd.s32 $0x1800, v25  }
0xa1: {  	[tilespmem:s0+$0x280] =	vst v50  }
0xa2: {  	s13 =	sadd.s32 $0x1, s6;
	v53 =	vld.idx.msk [tilespmem:v26+s18+$0x0], $0xffff;
	[tilespmem:s29+$0x280] =	vst v42  }
0xa3: {  	v54 =	vadd.s32 $0x1C00, v14;
	s6 =	sand.u32 $0x3, s13;
	v61 =	vld.idx.msk [tilespmem:v60+s18+$0x0], $0xffff;
	[tilespmem:s14+$0x280] =	vst v30  }
0xa4: {  	v16 =	vadd.s32 $0x1C00, v16;
	s6 =	sshll.u32 s6, $0x5;
	s0 =	sadd.s32 $0x1, s13;
	v26 =	vld.idx.msk [tilespmem:v51+s18+$0x0], $0xffff;
	[tilespmem:s8+$0x280] =	vst v19  }
0xa5: {  	s1 =	sadd.s32 s6, s1;
	s0 =	sand.u32 $0x3, s0;
	v23 =	vadd.s32 $0x1C00, v23;
	v14 =	vld.idx.msk [tilespmem:v52+s18+$0x0], $0xffff  }
0xa6: {  	s6 =	sor.u32 $0x300, s1;
	s7 =	sadd.s32 $0x10, s1;
	s0 =	sshll.u32 s0, $0x5;
	v25 =	vadd.s32 $0x1C00, v25  }
0xa7: {  	s0 =	sadd.s32 s0, s16;
	[tilespmem:s6+$0x5600] =	vst v53;
	s14 =	sor.u32 $0x300, s7  }
0xa8: {  	s22 =	sor.u32 $0x300, s0;
	s23 =	sadd.s32 $0x10, s0;
	v62 =	vld.idx.msk [tilespmem:v54+s18+$0x0], $0xffff;
	[tilespmem:s14+$0x5600] =	vst v61  }
0xa9: {  	s9 =	sor.u32 $0x300, s23;
	v63 =	vld.idx.msk [tilespmem:v16+s18+$0x0], $0xffff;
	[tilespmem:s22+$0x5600] =	vst v26  }
0xaa: {  	v55 =	vld.idx.msk [tilespmem:v23+s18+$0x0], $0xffff;
	[tilespmem:s9+$0x5600] =	vst v14  }
0xab: {  	v16 =	vld.idx.msk [tilespmem:v25+s18+$0x0], $0xffff  }
0xac: {  	s10 =	smul.u32 $0x320000, s26;
	[tilespmem:s31+$0x5600] =	vst v41;
	s1 =	sor.u32 $0x380, s1  }
0xad: {  	[tilespmem:s1+$0x5600] =	vst v62;
	s7 =	sor.u32 $0x380, s7  }
0xae: {  	s11 =	sadd.s32 s5, s10;
	s0 =	sor.u32 $0x380, s0;
	[tilespmem:s7+$0x5600] =	vst v63  }
0xaf: {  	s13 =	sshrl.u32 s11, $0x3;
	s12 =	sor.u32 $0x380, s23;
	[tilespmem:s0+$0x5600] =	vst v55  }
0xb0: {  	s0 =	sadd.s32 s2, s13;
	[tilespmem:s12+$0x5600] =	vst v16  }
0xb1: {  	[hbm4b:s0+s3] =	stream.linear.scatter [tilespmem:s19], [sflag:$0x1], $0xC800, $0x38;
	[tilespmem:$0x1E680] =	vst v63  }
0xb2: {  	s0 =	simm.s32 @!p0 $0x2  }
0xb3: {  	_ =	swait.ge @!p0 [sflag:s0], $0xC800  }
0xb4: {  	s14 =	sshll.u32 s28, $0xA;
	[sflag:s0] =	ssyncset.done @!p0 $0x0  }
0xb5: {  	s29 =	simm.s32 $0x0;
	s16 =	sadd.s32 s4, s14;
	[sflag:s0] =	ssyncadd.s32 @!p0 $0xFFFF3800  }
0xb6: {  	v21 =	vnsel vm3, $0x0, v21;
	v22 =	vnsel vm2, $0x0, v22;
	v28 =	vnsel vm1, $0x0, v28;
	[tilespmem:s18], [sflag:$0x3] =	stream.linear.gather [hbm4b:s16+s29], $0x2000, $0x38;
	[tilespmem:$0x1E680] =	vst v63  }
0xb7: {  	vm7 =	veq.s32 v9, v1;
	v38 =	vadd.f32 v38, v47;
	v23 =	vadd.f32 v48, v46;
	_ =	swait.ge [sflag:s15], $0x2000  }
0xb8: {  	vm12 =	veq.s32 v6, v1;
	v39 =	vadd.f32 v39, v45;
	v25 =	vadd.f32 v49, v44;
	[sflag:s15] =	ssyncset.done $0x0  }
0xb9: {  	v3 =	vnsel vm7, $0x0, v3;
	v38 =	vadd.f32 v21, v38;
	s22 =	sand.u32 $0x60, s29;
	v23 =	vadd.f32 v37, v23;
	[sflag:s15] =	ssyncadd.s32 $0xFFFFE000  }
0xba: {  	v5 =	vnsel vm12, $0x0, v5;
	v22 =	vadd.f32 v22, v39;
	s10 =	sand.u32 $0x1F80, s29;
	s23 =	sor.u32 $0x10, s22;
	v56 =	vadd.f32 v40, v25;
	v25 =	vld [tilespmem:s29+$0x0]  }
0xbb: {  	v21 =	vnsel vm0, $0x0, v41;
	v3 =	vadd.f32 v3, v38;
	s6 =	sor.u32 s10, s23;
	v28 =	vadd.f32 v28, v23  }
0xbc: {  	v37 =	vadd.f32 v21, v56;
	v21 =	vsub.s32 v9, v1;
	v9 =	vsub.s32 v6, v1;
	v23 =	vld [tilespmem:s6+$0x0]  }
0xbd: {  	vm8 =	veq.s32 v21, $0x4;
	vm6 =	veq.s32 v21, $0x5;
	vm5 =	veq.s32 v21, $0x6  }
0xbe: {  	vm9 =	veq.s32 v21, $0x1;
	vm10 =	veq.s32 v21, $0x2;
	vm4 =	veq.s32 v21, $0x7  }
0xbf: {  	vm11 =	veq.s32 v21, $0x3;
	vm3 =	veq.s32 v9, $0x4;
	vm2 =	veq.s32 v9, $0x5  }
0xc0: {  	vm1 =	veq.s32 v9, $0x6;
	vm0 =	veq.s32 v9, $0x7;
	vm13 =	veq.s32 v9, $0x1  }
0xc1: {  	vm14 =	veq.s32 v9, $0x2;
	vm15 =	veq.s32 v9, $0x3;
	v4 =	vnsel vm9, $0x0, v4  }
0xc2: {  	v9 =	vnsel vm10, $0x0, v10;
	v10 =	vnsel vm13, $0x0, v7;
	v12 =	vnsel vm14, $0x0, v12;
	v21 =	vld.idx.msk [tilespmem:v25+s18+$0x0], $0xffff  }
0xc3: {  	v13 =	vnsel vm11, $0x0, v13;
	v29 =	vnsel vm8, $0x0, v29;
	v6 =	vadd.s32 $0x400, v25  }
0xc4: {  	s11 =	sand.u32 $0xFC00, s29;
	v57 =	vnsel vm15, $0x0, v27;
	v58 =	vnsel vm6, $0x0, v50;
	vm9 =	veq.s32 v8, v1;
	v27 =	vld.idx.msk [tilespmem:v23+s18+$0x0], $0xffff  }
0xc5: {  	s9 =	sadd.s32 $0x11E00, s11;
	s12 =	simm.s32 $0x1900;
	v4 =	vadd.f32 v4, v22;
	v9 =	vadd.f32 v9, v28;
	v22 =	vadd.s32 $0x400, v23  }
0xc6: {  	s7 =	sor.u32 s22, s9;
	v13 =	vadd.f32 v13, v37;
	v28 =	vnsel vm5, $0x0, v53;
	v3 =	vadd.f32 v29, v3;
	v7 =	vld [tilespmem:s12+$0x0]  }
0xc7: {  	vm13 =	veq.s32 v20, v1;
	v4 =	vadd.f32 v58, v4;
	v9 =	vadd.f32 v28, v9;
	v28 =	vld [tilespmem:s6+$0x1900];
	[tilespmem:s7+$0x0] =	vst v21  }
0xc8: {  	v2 =	vnsel vm9, $0x0, v2;
	v18 =	vnsel vm13, $0x0, v18;
	v3 =	vadd.f32 v5, v3;
	s6 =	sor.u32 s23, s9;
	v29 =	vld.idx.msk [tilespmem:v6+s18+$0x0], $0xffff  }
0xc9: {  	v5 =	vnsel vm2, $0x0, v42;
	v4 =	vadd.f32 v10, v4;
	v59 =	vadd.s32 $0x800, v25;
	[tilespmem:s6+$0x0] =	vst v27  }
0xca: {  	s13 =	simm.s32 $0x20;
	v9 =	vadd.f32 v12, v9;
	v10 =	vnsel vm1, $0x0, v61;
	v12 =	vadd.s32 $0x800, v23;
	v37 =	vld.idx.msk [tilespmem:v22+s18+$0x0], $0xffff  }
0xcb: {  	v6 =	vnsel vm4, $0x0, v62;
	v22 =	vadd.f32 v5, v4;
	v4 =	vld [tilespmem:s13+$0x0];
	v5 =	vsub.s32 v8, v1  }
0xcc: {  	v8 =	vadd.s32 $0xC00, v25;
	v6 =	vadd.f32 v6, v13;
	v13 =	vnsel vm3, $0x0, v31  }
0xcd: {  	s14 =	sand.u32 $0x60, s13;
	vm8 =	veq.s32 v5, $0x4;
	vm6 =	veq.s32 v5, $0x5;
	vm4 =	veq.s32 v5, $0x6;
	[tilespmem:s7+$0x80] =	vst v29  }
0xce: {  	s0 =	sand.u32 $0x1F80, s13;
	s16 =	sor.u32 $0x10, s14;
	vm10 =	veq.s32 v5, $0x1;
	vm11 =	veq.s32 v5, $0x2;
	v6 =	vadd.f32 v57, v6;
	v38 =	vld.idx.msk [tilespmem:v59+s18+$0x0], $0xffff  }
0xcf: {  	s22 =	sor.u32 s0, s16;
	vm5 =	veq.s32 v5, $0x7;
	v13 =	vadd.f32 v13, v3;
	v3 =	vnsel vm0, $0x0, v63  }
0xd0: {  	vm12 =	veq.s32 v5, $0x3;
	v5 =	vsub.s32 v20, v1;
	v6 =	vadd.f32 v3, v6;
	v3 =	vld [tilespmem:s22+$0x0];
	[tilespmem:s6+$0x80] =	vst v37  }
0xd1: {  	v9 =	vadd.f32 v10, v9;
	v1 =	vadd.s32 $0xC00, v23;
	vm3 =	veq.s32 v5, $0x4;
	v39 =	vld.idx.msk [tilespmem:v12+s18+$0x0], $0xffff  }
0xd2: {  	vm2 =	veq.s32 v5, $0x5;
	vm1 =	veq.s32 v5, $0x6;
	vm0 =	veq.s32 v5, $0x7  }
0xd3: {  	vm14 =	veq.s32 v5, $0x1;
	vm15 =	veq.s32 v5, $0x2;
	vm7 =	veq.s32 v5, $0x3;
	v5 =	vld.idx.msk [tilespmem:v4+s18+$0x0], $0xffff;
	[tilespmem:s7+$0x100] =	vst v38  }
0xd4: {  	s30 =	simm.s32 $0x100;
	v10 =	vadd.s32 $0x1000, v25;
	v61 =	vadd.s32 $0x1000, v23;
	v20 =	vadd.s32 $0x400, v4;
	v40 =	vld.idx.msk [tilespmem:v8+s18+$0x0], $0xffff  }
0xd5: {  	s10 =	simm.s32 $0x1920;
	s23 =	sand.u32 $0xFC00, s30;
	v60 =	vnsel vm8, $0x0, v35;
	v30 =	vnsel vm6, $0x0, v30;
	v2 =	vadd.f32 v2, v13  }
0xd6: {  	s11 =	sadd.s32 $0x11E00, s23;
	v11 =	vnsel vm14, $0x0, v11;
	v31 =	vnsel vm15, $0x0, v33;
	v15 =	vnsel vm7, $0x0, v15;
	v13 =	vld [tilespmem:s10+$0x0];
	[tilespmem:s6+$0x100] =	vst v39  }
0xd7: {  	s0 =	sor.u32 s14, s11;
	v17 =	vnsel vm3, $0x0, v17;
	v12 =	vnsel vm10, $0x0, v24;
	v2 =	vadd.f32 v60, v2;
	v33 =	vld.idx.msk [tilespmem:v1+s18+$0x0], $0xffff  }
0xd8: {  	v19 =	vnsel vm2, $0x0, v19;
	v24 =	vnsel vm11, $0x0, v32;
	v12 =	vadd.f32 v12, v22;
	v8 =	vld.idx.msk [tilespmem:v3+s18+$0x0], $0xffff;
	[tilespmem:s0+$0x0] =	vst v5  }
0xd9: {  	v24 =	vadd.f32 v24, v9;
	v18 =	vadd.f32 v18, v2;
	v22 =	vadd.s32 $0x400, v3;
	v9 =	vld.idx.msk [tilespmem:v20+s18+$0x0], $0xffff;
	[tilespmem:s7+$0x180] =	vst v40  }
0xda: {  	s1 =	sor.u32 s16, s11;
	s16 =	simm.s32 $0x40;
	v12 =	vadd.f32 v30, v12;
	v30 =	vadd.s32 $0x800, v4;
	v1 =	vnsel vm12, $0x0, v34;
	v62 =	vld.idx.msk [tilespmem:v10+s18+$0x0], $0xffff  }
0xdb: {  	v2 =	vld [tilespmem:s16+$0x0];
	v1 =	vadd.f32 v1, v6;
	v6 =	vnsel vm4, $0x0, v26;
	v26 =	vadd.s32 $0x1400, v25  }
0xdc: {  	v14 =	vnsel vm1, $0x0, v14;
	v12 =	vadd.f32 v11, v12;
	v20 =	vnsel vm5, $0x0, v55;
	[tilespmem:s6+$0x180] =	vst v33;
	v10 =	vld [tilespmem:s22+$0x1900]  }
0xdd: {  	v16 =	vnsel vm0, $0x0, v16;
	v6 =	vadd.f32 v6, v24;
	v1 =	vadd.f32 v20, v1;
	[tilespmem:s1+$0x0] =	vst v8;
	v20 =	vld.idx.msk [tilespmem:v61+s18+$0x0], $0xffff  }
0xde: {  	s10 =	sand.u32 $0x60, s16;
	v52 =	vadd.s32 $0x1000, v4;
	v42 =	vadd.f32 v17, v18;
	v11 =	vld.idx.msk [tilespmem:v22+s18+$0x0], $0xffff;
	v22 =	vadd.s32 $0x1400, v23;
	[tilespmem:s0+$0x80] =	vst v9  }
0xdf: {  	s12 =	sand.u32 $0x1F80, s16;
	s8 =	sor.u32 $0x10, s10;
	v63 =	vadd.f32 v19, v12;
	v24 =	vadd.s32 $0x800, v3;
	v6 =	vadd.f32 v31, v6;
	v12 =	vld.idx.msk [tilespmem:v30+s18+$0x0], $0xffff;
	[tilespmem:s7+$0x200] =	vst v62  }
0xe0: {  	s9 =	sor.u32 s12, s8;
	v18 =	vadd.s32 $0x1800, v25;
	v19 =	vadd.s32 $0xC00, v4;
	v15 =	vadd.f32 v15, v1;
	v34 =	vld.idx.msk [tilespmem:v26+s18+$0x0], $0xffff  }
0xe1: {  	s11 =	sshll.u32 s28, $0x3;
	s14 =	simm.s32 $0x1940;
	v17 =	vadd.s32 $0x1800, v4;
	v54 =	vadd.s32 $0xC00, v3;
	v44 =	vadd.f32 v14, v6;
	v6 =	vld [tilespmem:s9+$0x0]  }
0xe2: {  	v56 =	vadd.s32 $0x1000, v3;
	v1 =	vmov s11;
	v45 =	vadd.f32 v16, v15;
	v15 =	vld [tilespmem:s14+$0x0];
	[tilespmem:s6+$0x200] =	vst v20  }
0xe3: {  	v53 =	vadd.s32 $0x400, v2;
	v31 =	vadd.s32 $0x1800, v23;
	vm6 =	veq.s32 v7, v1;
	[tilespmem:s1+$0x80] =	vst v11;
	v22 =	vld.idx.msk [tilespmem:v22+s18+$0x0], $0xffff  }
0xe4: {  	vm12 =	veq.s32 v28, v1;
	v23 =	vadd.s32 $0x1C00, v23;
	v59 =	vnsel vm6, $0x0, v21;
	v14 =	vld.idx.msk [tilespmem:v24+s18+$0x0], $0xffff;
	[tilespmem:s0+$0x100] =	vst v12  }
0xe5: {  	v35 =	vnsel vm12, $0x0, v27;
	v26 =	vsub.s32 v7, v1;
	v16 =	vld.idx.msk [tilespmem:v19+s18+$0x0], $0xffff;
	v19 =	vsub.s32 v28, v1;
	[tilespmem:s7+$0x280] =	vst v34  }
0xe6: {  	v30 =	vadd.s32 $0x1C00, v25;
	vm8 =	veq.s32 v26, $0x4;
	vm3 =	veq.s32 v19, $0x4;
	v55 =	vld.idx.msk [tilespmem:v18+s18+$0x0], $0xffff  }
0xe7: {  	s13 =	sand.u32 $0x3, s29;
	v7 =	vld.idx.msk [tilespmem:v2+s18+$0x0], $0xffff;
	vm2 =	veq.s32 v19, $0x5;
	vm1 =	veq.s32 v19, $0x6;
	vm0 =	veq.s32 v19, $0x7  }
0xe8: {  	vm13 =	veq.s32 v19, $0x1;
	vm14 =	veq.s32 v19, $0x2;
	vm15 =	veq.s32 v19, $0x3;
	v19 =	vld [tilespmem:s9+$0x1900];
	s7 =	sshll.u32 s13, $0x5;
	[tilespmem:s6+$0x280] =	vst v22  }
0xe9: {  	s31 =	simm.s32 $0x200;
	vm7 =	veq.s32 v26, $0x5;
	vm5 =	veq.s32 v26, $0x6;
	vm11 =	veq.s32 v26, $0x1;
	[tilespmem:s1+$0x100] =	vst v14;
	s6 =	sadd.s32 $0x0, s7;
	v32 =	vld.idx.msk [tilespmem:v31+s18+$0x0], $0xffff  }
0xea: {  	s22 =	sand.u32 $0xFC00, s31;
	vm10 =	veq.s32 v26, $0x2;
	vm4 =	veq.s32 v26, $0x7;
	vm9 =	veq.s32 v26, $0x3;
	v26 =	vld.idx.msk [tilespmem:v54+s18+$0x0], $0xffff;
	s23 =	sor.u32 $0x300, s6  }
0xeb: {  	v25 =	vadd.s32 $0x800, v2;
	v42 =	vadd.f32 v59, v42;
	v57 =	vadd.s32 $0x400, v6;
	s7 =	sadd.s32 $0x11E00, s22;
	v18 =	vld.idx.msk [tilespmem:v6+s18+$0x0], $0xffff;
	[tilespmem:s23+$0x11E00] =	vst v55  }
0xec: {  	v24 =	vadd.s32 $0x1400, v4;
	v28 =	vadd.s32 $0x1400, v3;
	v29 =	vnsel vm11, $0x0, v29;
	[tilespmem:s0+$0x180] =	vst v16;
	s12 =	sadd.s32 $0x10, s6;
	s23 =	sor.u32 s10, s7;
	v58 =	vld.idx.msk [tilespmem:v30+s18+$0x0], $0xffff  }
0xed: {  	v60 =	vnsel vm10, $0x0, v38;
	v61 =	vnsel vm9, $0x0, v40;
	v62 =	vnsel vm8, $0x0, v62;
	s13 =	sor.u32 $0x300, s12;
	[tilespmem:s23+$0x0] =	vst v7;
	v30 =	vld.idx.msk [tilespmem:v52+s18+$0x0], $0xffff  }
0xee: {  	v43 =	vadd.f32 v29, v63;
	v37 =	vnsel vm13, $0x0, v37;
	v36 =	vnsel vm14, $0x0, v39;
	[tilespmem:s13+$0x11E00] =	vst v32;
	v21 =	vld.idx.msk [tilespmem:v53+s18+$0x0], $0xffff  }
0xef: {  	v38 =	vnsel vm15, $0x0, v33;
	v33 =	vadd.f32 v60, v44;
	v39 =	vadd.f32 v62, v42;
	s13 =	sor.u32 s8, s7;
	[tilespmem:s1+$0x180] =	vst v26;
	v27 =	vld.idx.msk [tilespmem:v23+s18+$0x0], $0xffff  }
0xf0: {  	v63 =	vnsel vm7, $0x0, v34;
	v34 =	vadd.f32 v61, v45;
	v31 =	vadd.s32 $0x800, v6;
	s22 =	sor.u32 $0x380, s6;
	[tilespmem:s13+$0x0] =	vst v18;
	v29 =	vld.idx.msk [tilespmem:v56+s18+$0x0], $0xffff  }
0xf1: {  	v40 =	vadd.f32 v63, v43;
	s6 =	sor.u32 $0x380, s12;
	v41 =	vnsel vm5, $0x0, v55;
	s7 =	simm.s32 $0x4;
	s8 =	simm.s32 $0x60;
	v23 =	vld.idx.msk [tilespmem:v57+s18+$0x0], $0xffff;
	[tilespmem:s22+$0x11E00] =	vst v58;
	v42 =	vnsel vm4, $0x0, v58  }
.LBB2_7:
0xf2: {  	v43 =	vld [tilespmem:s8+$0x0];
	s16 =	sadd.s32 $0x20, s16;
	[tilespmem:s0+$0x200] =	vst v30;
	v41 =	vadd.f32 v41, v33;
	v42 =	vadd.f32 v42, v34;
	v20 =	vnsel vm3, $0x0, v20;
	v34 =	vmovc v26  }
0xf3: {  	v22 =	vnsel vm2, $0x0, v22;
	s11 =	sand.u32 $0x60, s16;
	[tilespmem:s23+$0x80] =	vst v21;
	v33 =	vld.idx.msk [tilespmem:v24+s18+$0x0], $0xffff;
	v24 =	vadd.f32 v35, v39;
	v26 =	vadd.f32 v37, v40  }
0xf4: {  	s7 =	sadd.s32 $0x2, s7;
	v32 =	vnsel vm1, $0x0, v32;
	s10 =	sand.u32 $0x1F80, s16;
	v40 =	vmovc v18;
	s9 =	sor.u32 $0x10, s11;
	v39 =	vld.idx.msk [tilespmem:v25+s18+$0x0], $0xffff;
	v25 =	vadd.f32 v36, v41;
	v36 =	vadd.f32 v38, v42  }
0xf5: {  	p0 =	slt.u32 s7, $0x18E;
	v18 =	vnsel vm0, $0x0, v27;
	s10 =	sor.u32 s10, s9;
	v41 =	vadd.f32 v20, v24;
	v42 =	vadd.f32 v22, v26;
	[tilespmem:s6+$0x11E00] =	vst v27;
	v27 =	vmovc v30  }
0xf6: {  	v35 =	vmovc v9;
	v26 =	vadd.s32 $0xC00, v2;
	v30 =	vld [tilespmem:s10+$0x0];
	[tilespmem:s1+$0x200] =	vst v29;
	v44 =	vadd.f32 v32, v25;
	v45 =	vadd.f32 v18, v36  }
0xf7: {  	vm6 =	veq.s32 v13, v1;
	v9 =	vmovc v21;
	v20 =	vmov v29;
	v29 =	vmov v11;
	[tilespmem:s13+$0x80] =	vst v23;
	v22 =	vld.idx.msk [tilespmem:v28+s18+$0x0], $0xffff  }
0xf8: {  	v21 =	vsub.s32 v13, v1;
	v18 =	vadd.s32 $0x1800, v2;
	v36 =	vadd.s32 $0x1C00, v4;
	v4 =	vmovc v2;
	v2 =	vmovc v43;
	v38 =	vld.idx.msk [tilespmem:v31+s18+$0x0], $0xffff  }
0xf9: {  	v13 =	vmovc v15;
	v11 =	vmovc v23;
	v37 =	vadd.s32 $0x1000, v4;
	v24 =	vadd.s32 $0x1400, v4;
	v31 =	vadd.s32 $0x1800, v3;
	[tilespmem:s0+$0x280] =	vst v33;
	s0 =	smov.u32 s23  }
0xfa: {  	v46 =	vadd.s32 $0xC00, v6;
	v23 =	vadd.s32 $0x400, v2;
	v25 =	vadd.s32 $0x800, v2;
	[tilespmem:s0+$0x100] =	vst v39;
	v47 =	vld.idx.msk [tilespmem:v17+s18+$0x0], $0xffff;
	v17 =	vmovc v18  }
0xfb: {  	s29 =	sadd.s32 $0x1, s29;
	vm8 =	veq.s32 v21, $0x4;
	vm7 =	veq.s32 v21, $0x5;
	vm4 =	veq.s32 v21, $0x6;
	v48 =	vld.idx.msk [tilespmem:v26+s18+$0x0], $0xffff  }
0xfc: {  	s14 =	sadd.s32 $0x20, s14;
	vm11 =	veq.s32 v21, $0x1;
	vm10 =	veq.s32 v21, $0x2;
	vm5 =	veq.s32 v21, $0x7;
	s6 =	sand.u32 $0x3, s29;
	v43 =	vld.idx.msk [tilespmem:v43+s18+$0x0], $0xffff  }
0xfd: {  	vm12 =	veq.s32 v10, v1;
	vm9 =	veq.s32 v21, $0x3;
	v21 =	vsub.s32 v10, v1;
	v10 =	vmovc v19;
	s6 =	sshll.u32 s6, $0x5;
	v15 =	vld [tilespmem:s14+$0x0];
	[tilespmem:s1+$0x280] =	vst v22;
	s1 =	smov.u32 s13  }
0xfe: {  	v49 =	vadd.s32 $0x1000, v6;
	v50 =	vadd.s32 $0x1C00, v3;
	v28 =	vadd.s32 $0x1400, v6;
	s6 =	sadd.s32 s6, s30;
	s30 =	smov.u32 s31;
	s31 =	sadd.s32 $0x100, s31;
	v3 =	vmovc v6;
	v6 =	vmovc v30;
	[tilespmem:s1+$0x100] =	vst v38;
	v32 =	vld.idx.msk [tilespmem:v31+s18+$0x0], $0xffff  }
0xff: {  	vm3 =	veq.s32 v21, $0x4;
	s12 =	sand.u32 $0xFC00, s31;
	s22 =	sor.u32 $0x380, s6;
	v51 =	vadd.s32 $0x400, v6;
	s13 =	sor.u32 $0x300, s6;
	v31 =	vadd.s32 $0x800, v6;
	v26 =	vld.idx.msk [tilespmem:v46+s18+$0x0], $0xffff  }
0x100: {  	vm2 =	veq.s32 v21, $0x5;
	vm1 =	veq.s32 v21, $0x6;
	vm0 =	veq.s32 v21, $0x7;
	s12 =	sadd.s32 $0x11E00, s12;
	v18 =	vld.idx.msk [tilespmem:v30+s18+$0x0], $0xffff;
	[tilespmem:s13+$0x11E00] =	vst v47  }
0x101: {  	vm13 =	veq.s32 v21, $0x1;
	vm14 =	veq.s32 v21, $0x2;
	vm15 =	veq.s32 v21, $0x3;
	s23 =	sor.u32 s11, s12;
	[tilespmem:s0+$0x180] =	vst v48;
	v46 =	vld.idx.msk [tilespmem:v36+s18+$0x0], $0xffff  }
0x102: {  	v52 =	vnsel vm6, $0x0, v5;
	v5 =	vmovc v7;
	v53 =	vnsel vm11, $0x0, v35;
	v35 =	vnsel vm12, $0x0, v8;
	s6 =	sadd.s32 $0x10, s6;
	v7 =	vmovc v43;
	[tilespmem:s23+$0x0] =	vst v43;
	v30 =	vld.idx.msk [tilespmem:v37+s18+$0x0], $0xffff  }
.Ltmp2:
0x103: {  	s11 =	sor.u32 $0x300, s6;
	s6 =	sor.u32 $0x380, s6;
	v36 =	vnsel vm14, $0x0, v14;
	v14 =	vmovc v38;
	v37 =	vnsel vm13, $0x0, v29;
	v21 =	vld.idx.msk [tilespmem:v23+s18+$0x0], $0xffff;
	v23 =	vnsel vm10, $0x0, v12;
	v12 =	vmovc v39;
	(pc) =	sbr.rel @p0 .LBB2_7-.Ltmp2, $4  }
0x104: {  	v8 =	vmovc v40;
	v38 =	vnsel vm15, $0x0, v34;
	v43 =	vnsel vm8, $0x0, v27;
	v39 =	vnsel vm9, $0x0, v16;
	v16 =	vmovc v48;
	v19 =	vld [tilespmem:s10+$0x1900];
	[tilespmem:s11+$0x11E00] =	vst v32  }
0x105: {  	v40 =	vadd.f32 v52, v41;
	v42 =	vadd.f32 v53, v42;
	s13 =	sor.u32 s9, s12;
	v48 =	vnsel vm7, $0x0, v33;
	[tilespmem:s1+$0x180] =	vst v26;
	v27 =	vld.idx.msk [tilespmem:v50+s18+$0x0], $0xffff  }
0x106: {  	v41 =	vnsel vm4, $0x0, v47;
	v33 =	vadd.f32 v23, v44;
	v34 =	vadd.f32 v39, v45;
	[tilespmem:s13+$0x0] =	vst v18;
	v29 =	vld.idx.msk [tilespmem:v49+s18+$0x0], $0xffff  }
0x107: {  	s8 =	sadd.s32 $0x20, s8;
	v39 =	vadd.f32 v43, v40;
	v40 =	vadd.f32 v48, v42;
	v42 =	vnsel vm5, $0x0, v46;
	v23 =	vld.idx.msk [tilespmem:v51+s18+$0x0], $0xffff;
	[tilespmem:s22+$0x11E00] =	vst v46  }
0x108: {  	_ =	sdelay $0x1  }
0x109: {  	v33 =	vadd.f32 v41, v33;
	v34 =	vadd.f32 v42, v34  }
0x10a: {  	v56 =	vnsel vm3, $0x0, v20;
	[tilespmem:s23+$0x80] =	vst v21;
	v57 =	vnsel vm2, $0x0, v22;
	v32 =	vnsel vm1, $0x0, v32  }
0x10b: {  	v61 =	vadd.s32 $0xC00, v2;
	v44 =	vadd.s32 $0xC00, v6;
	vm6 =	veq.s32 v13, v1;
	v20 =	vld.idx.msk [tilespmem:v25+s18+$0x0], $0xffff  }
0x10c: {  	[tilespmem:s0+$0x200] =	vst v30;
	v46 =	vadd.s32 $0x1800, v2;
	v13 =	vsub.s32 v13, v1;
	v4 =	vadd.s32 $0x1C00, v4  }
0x10d: {  	v47 =	vadd.s32 $0x1000, v2;
	v48 =	vadd.s32 $0x1400, v2;
	v49 =	vadd.s32 $0x1800, v3;
	v24 =	vld.idx.msk [tilespmem:v24+s18+$0x0], $0xffff  }
0x10e: {  	v50 =	vadd.s32 $0x1000, v6;
	vm12 =	veq.s32 v10, v1;
	v3 =	vadd.s32 $0x1C00, v3;
	[tilespmem:s13+$0x80] =	vst v23  }
0x10f: {  	v2 =	vadd.s32 $0x1C00, v2;
	v35 =	vadd.f32 v35, v39;
	v37 =	vadd.f32 v37, v40;
	[tilespmem:s1+$0x200] =	vst v29;
	v62 =	vld.idx.msk [tilespmem:v31+s18+$0x0], $0xffff  }
0x110: {  	vm7 =	veq.s32 v13, $0x4;
	vm4 =	veq.s32 v13, $0x5;
	vm9 =	veq.s32 v13, $0x1;
	v28 =	vld.idx.msk [tilespmem:v28+s18+$0x0], $0xffff;
	[tilespmem:s23+$0x100] =	vst v20  }
0x111: {  	vm10 =	veq.s32 v13, $0x2;
	vm2 =	veq.s32 v13, $0x7;
	v60 =	vadd.f32 v56, v35;
	v35 =	vld.idx.msk [tilespmem:v61+s18+$0x0], $0xffff  }
0x112: {  	vm11 =	veq.s32 v13, $0x3;
	v5 =	vnsel vm6, $0x0, v5;
	v8 =	vnsel vm12, $0x0, v8;
	[tilespmem:s0+$0x280] =	vst v24  }
0x113: {  	s7 =	sadd.s32 $0x1, s29;
	vm12 =	veq.s32 v19, v1;
	v58 =	vadd.f32 v36, v33;
	v59 =	vadd.f32 v38, v34;
	v17 =	vld.idx.msk [tilespmem:v17+s18+$0x0], $0xffff  }
0x114: {  	s11 =	sand.u32 $0x3, s7;
	v43 =	vnsel vm0, $0x0, v27;
	vm0 =	veq.s32 v13, $0x6;
	v13 =	vsub.s32 v10, v1;
	[tilespmem:s13+$0x100] =	vst v62  }
0x115: {  	v10 =	vadd.s32 $0x1400, v6;
	v63 =	vadd.f32 v57, v37;
	vm8 =	veq.s32 v13, $0x4;
	s0 =	sshll.u32 s11, $0x5;
	[tilespmem:s1+$0x280] =	vst v28;
	v37 =	vld.idx.msk [tilespmem:v44+s18+$0x0], $0xffff  }
0x116: {  	vm5 =	veq.s32 v13, $0x5;
	vm3 =	veq.s32 v13, $0x6;
	vm1 =	veq.s32 v13, $0x7;
	s0 =	sadd.s32 s0, s30;
	v39 =	vld.idx.msk [tilespmem:v49+s18+$0x0], $0xffff;
	[tilespmem:s23+$0x180] =	vst v35  }
0x117: {  	vm13 =	veq.s32 v13, $0x1;
	vm6 =	veq.s32 v13, $0x2;
	vm14 =	veq.s32 v13, $0x3;
	s12 =	sor.u32 $0x300, s0;
	v13 =	vld.idx.msk [tilespmem:v47+s18+$0x0], $0xffff  }
0x118: {  	v9 =	vnsel vm9, $0x0, v9;
	v12 =	vnsel vm10, $0x0, v12;
	v16 =	vnsel vm11, $0x0, v16;
	[tilespmem:s12+$0x11E00] =	vst v17  }
0x119: {  	v52 =	vnsel vm7, $0x0, v30;
	v56 =	vadd.s32 $0x1C00, v6;
	v25 =	vadd.f32 v32, v58;
	s14 =	sadd.s32 $0x10, s0;
	v4 =	vld.idx.msk [tilespmem:v4+s18+$0x0], $0xffff  }
0x11a: {  	v45 =	vadd.f32 v43, v59;
	v11 =	vnsel vm13, $0x0, v11;
	v14 =	vnsel vm6, $0x0, v14;
	s8 =	sor.u32 $0x300, s14;
	[tilespmem:s13+$0x180] =	vst v37  }
0x11b: {  	v54 =	vnsel vm14, $0x0, v26;
	v5 =	vadd.f32 v5, v60;
	v12 =	vadd.f32 v12, v25;
	[tilespmem:s8+$0x11E00] =	vst v39;
	v51 =	vld.idx.msk [tilespmem:v50+s18+$0x0], $0xffff  }
0x11c: {  	v9 =	vadd.f32 v9, v63;
	v16 =	vadd.f32 v16, v45;
	v17 =	vnsel vm0, $0x0, v17;
	v3 =	vld.idx.msk [tilespmem:v3+s18+$0x0], $0xffff;
	[tilespmem:s23+$0x200] =	vst v13  }
0x11d: {  	v24 =	vnsel vm4, $0x0, v24;
	v5 =	vadd.f32 v52, v5;
	v12 =	vadd.f32 v17, v12;
	v17 =	vld.idx.msk [tilespmem:v48+s18+$0x0], $0xffff  }
0x11e: {  	v55 =	vnsel vm8, $0x0, v29;
	v9 =	vadd.f32 v24, v9;
	v53 =	vnsel vm2, $0x0, v4  }
0x11f: {  	vm8 =	veq.s32 v15, v1;
	v5 =	vadd.f32 v8, v5;
	v16 =	vadd.f32 v53, v16  }
0x120: {  	v8 =	vadd.f32 v11, v9;
	v11 =	vadd.f32 v14, v12;
	v12 =	vadd.s32 $0x1800, v6;
	[tilespmem:s13+$0x200] =	vst v51  }
0x121: {  	v14 =	vadd.f32 v54, v16;
	v16 =	vnsel vm3, $0x0, v39;
	v9 =	vld.idx.msk [tilespmem:v10+s18+$0x0], $0xffff;
	v10 =	vnsel vm5, $0x0, v28  }
0x122: {  	v11 =	vadd.f32 v16, v11;
	v8 =	vadd.f32 v10, v8;
	v10 =	vnsel vm1, $0x0, v3;
	[tilespmem:s23+$0x280] =	vst v17  }
0x123: {  	s7 =	sadd.s32 $0x1, s7;
	v16 =	vsub.s32 v19, v1;
	v10 =	vadd.f32 v10, v14;
	v14 =	vsub.s32 v15, v1;
	v15 =	vld.idx.msk [tilespmem:v46+s18+$0x0], $0xffff  }
0x124: {  	s7 =	sand.u32 $0x3, s7;
	v5 =	vadd.f32 v55, v5;
	vm6 =	veq.s32 v16, $0x4;
	vm3 =	veq.s32 v16, $0x5  }
0x125: {  	s7 =	sshll.u32 s7, $0x5;
	vm0 =	veq.s32 v16, $0x7;
	vm13 =	veq.s32 v16, $0x1;
	vm14 =	veq.s32 v16, $0x2  }
0x126: {  	s7 =	sadd.s32 s7, s31;
	vm15 =	veq.s32 v16, $0x3;
	vm1 =	veq.s32 v16, $0x6;
	v19 =	vnsel vm14, $0x0, v62;
	[tilespmem:s13+$0x280] =	vst v9  }
0x127: {  	s16 =	sor.u32 $0x300, s7;
	v58 =	vnsel vm15, $0x0, v37;
	v62 =	vnsel vm6, $0x0, v51;
	vm7 =	veq.s32 v14, $0x4;
	v12 =	vld.idx.msk [tilespmem:v12+s18+$0x0], $0xffff  }
0x128: {  	vm5 =	veq.s32 v14, $0x5;
	vm4 =	veq.s32 v14, $0x6;
	vm9 =	veq.s32 v14, $0x1;
	[tilespmem:s16+$0x11E00] =	vst v15  }
0x129: {  	vm10 =	veq.s32 v14, $0x2;
	vm2 =	veq.s32 v14, $0x7;
	vm11 =	veq.s32 v14, $0x3;
	v1 =	vld.idx.msk [tilespmem:v2+s18+$0x0], $0xffff  }
0x12a: {  	s9 =	sadd.s32 $0x10, s7;
	s0 =	sor.u32 $0x380, s0;
	v14 =	vnsel vm12, $0x0, v18;
	v57 =	vnsel vm9, $0x0, v21;
	v16 =	vnsel vm10, $0x0, v20  }
0x12b: {  	s22 =	sor.u32 $0x300, s9;
	[tilespmem:s0+$0x11E00] =	vst v4;
	v20 =	vnsel vm11, $0x0, v35;
	v13 =	vnsel vm7, $0x0, v13;
	v2 =	vnsel vm8, $0x0, v7  }
0x12c: {  	s1 =	sor.u32 $0x380, s14;
	v60 =	vnsel vm5, $0x0, v17;
	v59 =	vadd.f32 v57, v8;
	v2 =	vadd.f32 v2, v5;
	[tilespmem:s22+$0x11E00] =	vst v12  }
0x12d: {  	s26 =	sadd.s32 $0x1, s26;
	[tilespmem:s1+$0x11E00] =	vst v3;
	s23 =	smul.u32 $0x190000, s28;
	s28 =	sor.u32 $0x380, s7;
	v3 =	vadd.f32 v16, v11;
	v61 =	vadd.f32 v20, v10;
	v8 =	vnsel vm4, $0x0, v15;
	v6 =	vld.idx.msk [tilespmem:v56+s18+$0x0], $0xffff  }
0x12e: {  	p0 =	sne.s32 s26, $0x3E;
	v4 =	vadd.f32 v60, v59;
	v2 =	vadd.f32 v13, v2;
	[tilespmem:s28+$0x11E00] =	vst v1;
	v1 =	vnsel vm2, $0x0, v1  }
.Ltmp3:
0x12f: {  	v18 =	vnsel vm13, $0x0, v23;
	v3 =	vadd.f32 v8, v3;
	v1 =	vadd.f32 v1, v61;
	(pc) =	sbr.rel @p0 .LBB2_4-.Ltmp3, $4  }
0x130: {  	s29 =	sadd.s32 s5, s23;
	v63 =	vnsel vm3, $0x0, v9;
	v4 =	vadd.f32 v18, v4;
	v2 =	vadd.f32 v14, v2  }
0x131: {  	[tilespmem:s6+$0x11E00] =	vst v27;
	s30 =	sor.u32 $0x380, s9;
	s31 =	sshrl.u32 s29, $0x3;
	v3 =	vadd.f32 v19, v3;
	v8 =	vnsel vm1, $0x0, v12;
	v1 =	vadd.f32 v58, v1  }
0x132: {  	s0 =	sadd.s32 s2, s31;
	v17 =	vadd.f32 v63, v4;
	v19 =	vadd.f32 v62, v2;
	[tilespmem:s30+$0x11E00] =	vst v6;
	v2 =	vnsel vm0, $0x0, v6  }
0x133: {  	v15 =	vadd.f32 v8, v3;
	[hbm4b:s0+s3] =	stream.linear.scatter [tilespmem:s20], [sflag:$0x2], $0xC800, $0x38;
	v11 =	vadd.f32 v2, v1;
	[tilespmem:$0x1E680] =	vst v63  }
0x134: {  	_ =	swait.ge [sflag:s21], $0xC800  }
0x135: {  	[sflag:s21] =	ssyncset.done $0x0  }
0x136: {  	s25 =	simm.s32 $0x0;
	s0 =	rddreg [dreg:$0x6];
	[sflag:s21] =	ssyncadd.s32 $0xFFFF3800  }
0x137: {  	[tilespmem:s18], [sflag:$0x3] =	stream.linear.gather [hbm4b:s0+s25], $0x2000, $0x38;
	[tilespmem:$0x1E680] =	vst v63  }
0x138: {  	_ =	swait.ge [sflag:s15], $0x2000  }
0x139: {  	[sflag:s15] =	ssyncset.done $0x0  }
0x13a: {  	[sflag:s15] =	ssyncadd.s32 $0xFFFFE000  }
0x13b: {  	s12 =	sand.u32 $0x60, s25;
	v3 =	vld [tilespmem:s25+$0x0]  }
0x13c: {  	s6 =	sand.u32 $0x1F80, s25;
	s1 =	sor.u32 $0x10, s12  }
0x13d: {  	s6 =	sor.u32 s6, s1  }
0x13e: {  	v22 =	vld [tilespmem:s6+$0x0];
	_ =	sdelay $0x4  }
0x13f: {  	v21 =	vld.idx.msk [tilespmem:v3+s18+$0x0], $0xffff  }
0x140: {  	v1 =	vadd.s32 $0x400, v3  }
0x141: {  	s7 =	sand.u32 $0xFC00, s25  }
0x142: {  	s7 =	sadd.s32 $0x5600, s7;
	v23 =	vld.idx.msk [tilespmem:v22+s18+$0x0], $0xffff  }
0x143: {  	s8 =	simm.s32 $0x1900;
	s13 =	sor.u32 s12, s7;
	v2 =	vadd.s32 $0x400, v22  }
0x144: {  	v12 =	vld [tilespmem:s8+$0x0];
	[tilespmem:s13+$0x0] =	vst v21  }
0x145: {  	v33 =	vld.idx.msk [tilespmem:v1+s18+$0x0], $0xffff  }
0x146: {  	s16 =	simm.s32 $0x20;
	s14 =	sor.u32 s1, s7;
	v28 =	vld [tilespmem:s6+$0x1900];
	v1 =	vadd.s32 $0x800, v3  }
0x147: {  	s22 =	sand.u32 $0x60, s16;
	v8 =	vld [tilespmem:s16+$0x0];
	[tilespmem:s14+$0x0] =	vst v23  }
0x148: {  	s9 =	sor.u32 $0x10, s22;
	s0 =	sand.u32 $0x1F80, s16;
	v35 =	vld.idx.msk [tilespmem:v2+s18+$0x0], $0xffff  }
0x149: {  	s0 =	sor.u32 s0, s9;
	v2 =	vadd.s32 $0x800, v22  }
0x14a: {  	v5 =	vld [tilespmem:s0+$0x0];
	[tilespmem:s13+$0x80] =	vst v33  }
0x14b: {  	v36 =	vld.idx.msk [tilespmem:v1+s18+$0x0], $0xffff  }
0x14c: {  	v1 =	vadd.s32 $0xC00, v3  }
0x14d: {  	[tilespmem:s14+$0x80] =	vst v35  }
0x14e: {  	v37 =	vld.idx.msk [tilespmem:v2+s18+$0x0], $0xffff  }
0x14f: {  	v4 =	vld.idx.msk [tilespmem:v8+s18+$0x0], $0xffff;
	v2 =	vadd.s32 $0xC00, v22  }
0x150: {  	s1 =	simm.s32 $0x100;
	v6 =	vadd.s32 $0x400, v8;
	[tilespmem:s13+$0x100] =	vst v36  }
0x151: {  	s11 =	simm.s32 $0x1920;
	s10 =	sand.u32 $0xFC00, s1;
	v38 =	vld.idx.msk [tilespmem:v1+s18+$0x0], $0xffff  }
0x152: {  	s10 =	sadd.s32 $0x5600, s10;
	v16 =	vld [tilespmem:s11+$0x0];
	v1 =	vadd.s32 $0x1000, v3  }
0x153: {  	s28 =	sor.u32 s22, s10;
	v7 =	vld.idx.msk [tilespmem:v5+s18+$0x0], $0xffff;
	[tilespmem:s14+$0x100] =	vst v37  }
0x154: {  	v9 =	vadd.s32 $0x400, v5;
	[tilespmem:s28+$0x0] =	vst v4;
	v39 =	vld.idx.msk [tilespmem:v2+s18+$0x0], $0xffff  }
0x155: {  	v6 =	vld.idx.msk [tilespmem:v6+s18+$0x0], $0xffff;
	v2 =	vadd.s32 $0x1000, v22  }
0x156: {  	v14 =	vld [tilespmem:s0+$0x1900];
	v10 =	vadd.s32 $0x800, v8;
	[tilespmem:s13+$0x180] =	vst v38  }
0x157: {  	s0 =	sor.u32 s9, s10;
	v40 =	vld.idx.msk [tilespmem:v1+s18+$0x0], $0xffff  }
0x158: {  	[tilespmem:s0+$0x0] =	vst v7;
	v1 =	vadd.s32 $0x1400, v3  }
0x159: {  	v9 =	vld.idx.msk [tilespmem:v9+s18+$0x0], $0xffff;
	[tilespmem:s14+$0x180] =	vst v39  }
0x15a: {  	s16 =	simm.s32 $0x40;
	[tilespmem:s28+$0x80] =	vst v6;
	v24 =	vld.idx.msk [tilespmem:v2+s18+$0x0], $0xffff  }
0x15b: {  	s23 =	sand.u32 $0x60, s16;
	v13 =	vadd.s32 $0x1400, v22;
	v10 =	vld.idx.msk [tilespmem:v10+s18+$0x0], $0xffff  }
0x15c: {  	s26 =	sand.u32 $0x1F80, s16;
	s7 =	sor.u32 $0x10, s23;
	v18 =	vadd.s32 $0x800, v5;
	v31 =	vadd.s32 $0xFFFFFC20, v12;
	v2 =	vld [tilespmem:s16+$0x0];
	[tilespmem:s13+$0x200] =	vst v40  }
0x15d: {  	s9 =	sor.u32 s26, s7;
	v30 =	vadd.s32 $0xC00, v8;
	vm10 =	veq.s32 v31, $0x0;
	v41 =	vld.idx.msk [tilespmem:v1+s18+$0x0], $0xffff  }
0x15e: {  	v29 =	vadd.s32 $0x1800, v3;
	v60 =	vnsel vm10, $0x0, v21;
	v21 =	vld [tilespmem:s9+$0x1900]  }
0x15f: {  	v26 =	vadd.s32 $0x1400, v8;
	[tilespmem:s14+$0x200] =	vst v24;
	v1 =	vld [tilespmem:s9+$0x0]  }
0x160: {  	v20 =	vadd.s32 $0x1800, v8;
	v34 =	vadd.s32 $0x1C00, v3;
	v42 =	vadd.s32 $0x1000, v8;
	[tilespmem:s0+$0x80] =	vst v9;
	v25 =	vld.idx.msk [tilespmem:v13+s18+$0x0], $0xffff  }
0x161: {  	v32 =	vadd.s32 $0x1800, v22;
	v44 =	vadd.s32 $0xC00, v5;
	v46 =	vadd.s32 $0x1C00, v22;
	v12 =	vld.idx.msk [tilespmem:v18+s18+$0x0], $0xffff;
	[tilespmem:s28+$0x100] =	vst v10  }
0x162: {  	v47 =	vadd.s32 $0x1000, v5;
	vm7 =	veq.s32 v31, $0x4;
	vm6 =	veq.s32 v31, $0x5;
	v13 =	vld.idx.msk [tilespmem:v30+s18+$0x0], $0xffff;
	[tilespmem:s13+$0x280] =	vst v41  }
0x163: {  	vm5 =	veq.s32 v31, $0x6;
	vm4 =	veq.s32 v31, $0x7;
	vm11 =	veq.s32 v31, $0x1;
	v45 =	vld.idx.msk [tilespmem:v29+s18+$0x0], $0xffff  }
0x164: {  	s30 =	sand.u32 $0x3, s25;
	vm9 =	veq.s32 v31, $0x2;
	vm8 =	veq.s32 v31, $0x3;
	v31 =	vadd.s32 $0xFFFFFC20, v28;
	v3 =	vld.idx.msk [tilespmem:v2+s18+$0x0], $0xffff;
	s13 =	simm.s32 $0x1940  }
0x165: {  	s8 =	sshll.u32 s30, $0x5;
	vm3 =	veq.s32 v31, $0x4;
	vm2 =	veq.s32 v31, $0x5;
	vm12 =	veq.s32 v31, $0x0;
	[tilespmem:s14+$0x280] =	vst v25;
	v18 =	vld [tilespmem:s13+$0x0]  }
0x166: {  	s31 =	sadd.s32 $0x0, s8;
	s26 =	simm.s32 $0x200;
	vm1 =	veq.s32 v31, $0x6;
	vm0 =	veq.s32 v31, $0x7;
	[tilespmem:s0+$0x100] =	vst v12;
	v43 =	vadd.s32 $0x400, v2;
	v32 =	vld.idx.msk [tilespmem:v32+s18+$0x0], $0xffff  }
0x167: {  	s12 =	sand.u32 $0xFC00, s26;
	vm13 =	veq.s32 v31, $0x1;
	vm14 =	veq.s32 v31, $0x2;
	v33 =	vnsel vm11, $0x0, v33;
	s14 =	sor.u32 $0x300, s31;
	v29 =	vld.idx.msk [tilespmem:v44+s18+$0x0], $0xffff  }
0x168: {  	s8 =	sadd.s32 $0x5600, s12;
	vm15 =	veq.s32 v31, $0x3;
	v62 =	vadd.f32 v60, v19;
	v63 =	vadd.f32 v33, v17;
	v22 =	vld.idx.msk [tilespmem:v1+s18+$0x0], $0xffff;
	[tilespmem:s14+$0x5600] =	vst v45  }
0x169: {  	s22 =	sadd.s32 $0x10, s31;
	s23 =	sor.u32 s23, s8;
	v61 =	vnsel vm9, $0x0, v36;
	v36 =	vnsel vm13, $0x0, v35;
	v48 =	vadd.s32 $0x400, v1;
	[tilespmem:s28+$0x180] =	vst v13;
	v59 =	vld.idx.msk [tilespmem:v34+s18+$0x0], $0xffff  }
0x16a: {  	s30 =	sor.u32 $0x300, s22;
	v35 =	vnsel vm14, $0x0, v37;
	v15 =	vadd.f32 v61, v15;
	v38 =	vnsel vm8, $0x0, v38;
	v31 =	vld.idx.msk [tilespmem:v42+s18+$0x0], $0xffff;
	[tilespmem:s23+$0x0] =	vst v3  }
0x16b: {  	v37 =	vnsel vm15, $0x0, v39;
	v33 =	vadd.f32 v38, v11;
	[tilespmem:s30+$0x5600] =	vst v32;
	v34 =	vnsel vm12, $0x0, v23;
	v23 =	vld.idx.msk [tilespmem:v43+s18+$0x0], $0xffff  }
0x16c: {  	s29 =	sor.u32 s7, s8;
	v27 =	vadd.s32 $0x800, v2;
	v49 =	vnsel vm7, $0x0, v40;
	v30 =	vadd.s32 $0x1400, v5;
	[tilespmem:s0+$0x180] =	vst v29;
	v17 =	vld.idx.msk [tilespmem:v46+s18+$0x0], $0xffff  }
0x16d: {  	v39 =	vadd.f32 v49, v62;
	v28 =	vadd.s32 $0x800, v1;
	v41 =	vnsel vm6, $0x0, v41;
	s31 =	sor.u32 $0x380, s31;
	v19 =	vld.idx.msk [tilespmem:v47+s18+$0x0], $0xffff;
	[tilespmem:s29+$0x0] =	vst v22  }
0x16e: {  	s6 =	simm.s32 $0x4;
	s7 =	simm.s32 $0x60;
	v38 =	vadd.f32 v41, v63;
	v40 =	vnsel vm5, $0x0, v45;
	s14 =	sor.u32 $0x380, s22;
	v11 =	vld.idx.msk [tilespmem:v48+s18+$0x0], $0xffff;
	[tilespmem:s31+$0x5600] =	vst v59;
	v41 =	vnsel vm4, $0x0, v59  }
.LBB2_10:
0x16f: {  	v42 =	vld [tilespmem:s7+$0x0];
	s16 =	sadd.s32 $0x20, s16;
	[tilespmem:s28+$0x200] =	vst v31;
	v40 =	vadd.f32 v40, v15;
	v41 =	vadd.f32 v41, v33;
	v24 =	vnsel vm3, $0x0, v24;
	v33 =	vmovc v29  }
0x170: {  	v25 =	vnsel vm2, $0x0, v25;
	s10 =	sand.u32 $0x60, s16;
	[tilespmem:s23+$0x80] =	vst v23;
	v15 =	vld.idx.msk [tilespmem:v26+s18+$0x0], $0xffff;
	v26 =	vadd.f32 v34, v39;
	v29 =	vadd.f32 v36, v38  }
0x171: {  	s6 =	sadd.s32 $0x2, s6;
	v32 =	vnsel vm1, $0x0, v32;
	s9 =	sand.u32 $0x1F80, s16;
	v39 =	vmovc v22;
	s8 =	sor.u32 $0x10, s10;
	v38 =	vld.idx.msk [tilespmem:v27+s18+$0x0], $0xffff;
	v27 =	vadd.f32 v35, v40;
	v34 =	vadd.f32 v37, v41  }
0x172: {  	p0 =	slt.u32 s6, $0x18E;
	v37 =	vmovc v31;
	s9 =	sor.u32 s9, s8;
	v40 =	vadd.f32 v24, v26;
	v41 =	vadd.f32 v25, v29;
	[tilespmem:s14+$0x5600] =	vst v17;
	v26 =	vnsel vm0, $0x0, v17  }
0x173: {  	v29 =	vadd.s32 $0xC00, v2;
	v17 =	vmovc v6;
	v22 =	vld [tilespmem:s9+$0x0];
	[tilespmem:s0+$0x200] =	vst v19;
	v43 =	vadd.f32 v32, v27;
	v44 =	vadd.f32 v26, v34  }
0x174: {  	v31 =	vadd.s32 $0xFFFFFC20, v16;
	v16 =	vmovc v18;
	v6 =	vmovc v23;
	v24 =	vmov v19;
	v19 =	vmov v9;
	[tilespmem:s29+$0x80] =	vst v11;
	v25 =	vld.idx.msk [tilespmem:v30+s18+$0x0], $0xffff  }
0x175: {  	v18 =	vadd.s32 $0x1800, v2;
	v23 =	vadd.s32 $0x1C00, v8;
	v8 =	vmovc v2;
	v26 =	vadd.s32 $0x1400, v2;
	v2 =	vmovc v42;
	v45 =	vld.idx.msk [tilespmem:v28+s18+$0x0], $0xffff  }
0x176: {  	v34 =	vadd.s32 $0x1000, v8;
	v32 =	vadd.s32 $0x1800, v5;
	v9 =	vmovc v11;
	v27 =	vadd.s32 $0x800, v2;
	[tilespmem:s28+$0x280] =	vst v15;
	s28 =	smov.u32 s23  }
0x177: {  	v35 =	vadd.s32 $0xC00, v1;
	vm7 =	veq.s32 v31, $0x4;
	v11 =	vadd.s32 $0x400, v2;
	[tilespmem:s28+$0x100] =	vst v38;
	v46 =	vld.idx.msk [tilespmem:v20+s18+$0x0], $0xffff;
	v20 =	vmovc v18  }
0x178: {  	s25 =	sadd.s32 $0x1, s25;
	vm6 =	veq.s32 v31, $0x5;
	vm5 =	veq.s32 v31, $0x6;
	vm4 =	veq.s32 v31, $0x7;
	v47 =	vld.idx.msk [tilespmem:v29+s18+$0x0], $0xffff  }
0x179: {  	s13 =	sadd.s32 $0x20, s13;
	s11 =	sand.u32 $0x3, s25;
	vm10 =	veq.s32 v31, $0x0;
	vm11 =	veq.s32 v31, $0x1;
	vm9 =	veq.s32 v31, $0x2;
	v36 =	vld.idx.msk [tilespmem:v42+s18+$0x0], $0xffff  }
0x17a: {  	s11 =	sshll.u32 s11, $0x5;
	vm8 =	veq.s32 v31, $0x3;
	v31 =	vadd.s32 $0xFFFFFC20, v14;
	v42 =	vadd.s32 $0x1C00, v5;
	v5 =	vmovc v1;
	v1 =	vmovc v22;
	v18 =	vld [tilespmem:s13+$0x0];
	[tilespmem:s0+$0x280] =	vst v25;
	s0 =	smov.u32 s29  }
0x17b: {  	s11 =	sadd.s32 s11, s1;
	v14 =	vmovc v21;
	s1 =	smov.u32 s26;
	s26 =	sadd.s32 $0x100, s26;
	v28 =	vadd.s32 $0x800, v1;
	v48 =	vadd.s32 $0x1000, v5;
	v30 =	vadd.s32 $0x1400, v5;
	[tilespmem:s0+$0x100] =	vst v45;
	v32 =	vld.idx.msk [tilespmem:v32+s18+$0x0], $0xffff  }
0x17c: {  	s12 =	sand.u32 $0xFC00, s26;
	s14 =	sor.u32 $0x300, s11;
	s22 =	sor.u32 $0x380, s11;
	vm3 =	veq.s32 v31, $0x4;
	vm2 =	veq.s32 v31, $0x5;
	v49 =	vadd.s32 $0x400, v1;
	v29 =	vld.idx.msk [tilespmem:v35+s18+$0x0], $0xffff  }
0x17d: {  	vm12 =	veq.s32 v31, $0x0;
	vm1 =	veq.s32 v31, $0x6;
	vm0 =	veq.s32 v31, $0x7;
	s12 =	sadd.s32 $0x5600, s12;
	v22 =	vld.idx.msk [tilespmem:v22+s18+$0x0], $0xffff;
	[tilespmem:s14+$0x5600] =	vst v46  }
0x17e: {  	vm13 =	veq.s32 v31, $0x1;
	vm14 =	veq.s32 v31, $0x2;
	vm15 =	veq.s32 v31, $0x3;
	s23 =	sor.u32 s10, s12;
	[tilespmem:s28+$0x180] =	vst v47;
	v50 =	vld.idx.msk [tilespmem:v23+s18+$0x0], $0xffff  }
0x17f: {  	v51 =	vnsel vm10, $0x0, v4;
	v17 =	vnsel vm11, $0x0, v17;
	v4 =	vmovc v3;
	s10 =	sadd.s32 $0x10, s11;
	v3 =	vmovc v36;
	[tilespmem:s23+$0x0] =	vst v36;
	v31 =	vld.idx.msk [tilespmem:v34+s18+$0x0], $0xffff;
	v34 =	vnsel vm12, $0x0, v7  }
.Ltmp4:
0x180: {  	s11 =	sor.u32 $0x300, s10;
	v35 =	vnsel vm14, $0x0, v12;
	v12 =	vmovc v45;
	s14 =	sor.u32 $0x380, s10;
	v36 =	vnsel vm13, $0x0, v19;
	v23 =	vld.idx.msk [tilespmem:v11+s18+$0x0], $0xffff;
	v11 =	vnsel vm9, $0x0, v10;
	v10 =	vmovc v38;
	(pc) =	sbr.rel @p0 .LBB2_10-.Ltmp4, $4  }
0x181: {  	v45 =	vnsel vm7, $0x0, v37;
	v37 =	vnsel vm15, $0x0, v33;
	v7 =	vmovc v39;
	v38 =	vnsel vm8, $0x0, v13;
	v13 =	vmovc v47;
	v21 =	vld [tilespmem:s9+$0x1900];
	[tilespmem:s11+$0x5600] =	vst v32  }
0x182: {  	v41 =	vadd.f32 v17, v41;
	s29 =	sor.u32 s8, s12;
	v39 =	vadd.f32 v51, v40;
	v47 =	vnsel vm6, $0x0, v15;
	[tilespmem:s0+$0x180] =	vst v29;
	v17 =	vld.idx.msk [tilespmem:v42+s18+$0x0], $0xffff  }
0x183: {  	v40 =	vnsel vm5, $0x0, v46;
	v15 =	vadd.f32 v11, v43;
	v33 =	vadd.f32 v38, v44;
	[tilespmem:s29+$0x0] =	vst v22;
	v19 =	vld.idx.msk [tilespmem:v48+s18+$0x0], $0xffff  }
0x184: {  	s7 =	sadd.s32 $0x20, s7;
	v39 =	vadd.f32 v45, v39;
	v38 =	vadd.f32 v47, v41;
	v41 =	vnsel vm4, $0x0, v50;
	v11 =	vld.idx.msk [tilespmem:v49+s18+$0x0], $0xffff;
	[tilespmem:s22+$0x5600] =	vst v50  }
0x185: {  	_ = 	snop  }
0x186: {  	v40 =	vadd.f32 v40, v15  }
0x187: {  	v33 =	vadd.f32 v41, v33;
	v24 =	vnsel vm3, $0x0, v24;
	v25 =	vnsel vm2, $0x0, v25  }
0x188: {  	[tilespmem:s23+$0x80] =	vst v23;
	v32 =	vnsel vm1, $0x0, v32;
	v49 =	vadd.s32 $0xC00, v2;
	v16 =	vadd.s32 $0xFFFFFC20, v16  }
0x189: {  	v52 =	vadd.s32 $0x1400, v2;
	v53 =	vadd.s32 $0x1800, v2;
	v8 =	vadd.s32 $0x1C00, v8;
	v15 =	vld.idx.msk [tilespmem:v27+s18+$0x0], $0xffff  }
0x18a: {  	v54 =	vadd.s32 $0x1000, v2;
	v55 =	vadd.s32 $0x1800, v5;
	v56 =	vadd.s32 $0xC00, v1;
	[tilespmem:s29+$0x80] =	vst v11  }
0x18b: {  	v14 =	vadd.s32 $0xFFFFFC20, v14;
	v57 =	vadd.s32 $0x1C00, v5;
	v58 =	vadd.s32 $0x1000, v1;
	v28 =	vld.idx.msk [tilespmem:v28+s18+$0x0], $0xffff  }
0x18c: {  	v59 =	vadd.s32 $0x1400, v1;
	v42 =	vadd.s32 $0xFFFFFC20, v18;
	v43 =	vadd.s32 $0x1800, v1  }
0x18d: {  	v44 =	vadd.s32 $0x1C00, v2;
	v47 =	vadd.s32 $0x1C00, v1;
	v34 =	vadd.f32 v34, v39  }
0x18e: {  	v36 =	vadd.f32 v36, v38;
	vm4 =	veq.s32 v16, $0x4;
	vm2 =	veq.s32 v16, $0x5;
	[tilespmem:s23+$0x100] =	vst v15  }
0x18f: {  	vm1 =	veq.s32 v16, $0x6;
	vm8 =	veq.s32 v16, $0x0;
	v48 =	vadd.f32 v35, v40;
	v35 =	vld.idx.msk [tilespmem:v49+s18+$0x0], $0xffff  }
0x190: {  	vm9 =	veq.s32 v16, $0x1;
	vm10 =	veq.s32 v16, $0x2;
	vm11 =	veq.s32 v16, $0x3;
	[tilespmem:s29+$0x100] =	vst v28  }
0x191: {  	vm7 =	veq.s32 v14, $0x4;
	vm5 =	veq.s32 v14, $0x5;
	vm12 =	veq.s32 v14, $0x0;
	v38 =	vld.idx.msk [tilespmem:v56+s18+$0x0], $0xffff  }
0x192: {  	[tilespmem:s28+$0x200] =	vst v31;
	vm6 =	veq.s32 v14, $0x6;
	vm3 =	veq.s32 v14, $0x7;
	vm13 =	veq.s32 v14, $0x1  }
0x193: {  	v26 =	vld.idx.msk [tilespmem:v26+s18+$0x0], $0xffff;
	vm14 =	veq.s32 v14, $0x3;
	v46 =	vadd.s32 $0xFFFFFC20, v21;
	v33 =	vadd.f32 v37, v33  }
0x194: {  	v50 =	vnsel vm0, $0x0, v17;
	vm0 =	veq.s32 v16, $0x7;
	v4 =	vnsel vm8, $0x0, v4;
	[tilespmem:s23+$0x180] =	vst v35  }
0x195: {  	vm8 =	veq.s32 v14, $0x2;
	v6 =	vnsel vm9, $0x0, v6;
	v7 =	vnsel vm12, $0x0, v7;
	[tilespmem:s0+$0x200] =	vst v19;
	v60 =	vld.idx.msk [tilespmem:v54+s18+$0x0], $0xffff  }
0x196: {  	v10 =	vnsel vm10, $0x0, v10;
	v9 =	vnsel vm13, $0x0, v9;
	v13 =	vnsel vm11, $0x0, v13;
	v30 =	vld.idx.msk [tilespmem:v30+s18+$0x0], $0xffff;
	[tilespmem:s29+$0x180] =	vst v38  }
0x197: {  	v61 =	vnsel vm4, $0x0, v31;
	v29 =	vnsel vm14, $0x0, v29;
	vm9 =	veq.s32 v42, $0x1;
	v16 =	vld.idx.msk [tilespmem:v58+s18+$0x0], $0xffff  }
0x198: {  	vm10 =	veq.s32 v42, $0x2;
	vm11 =	veq.s32 v42, $0x3;
	vm4 =	veq.s32 v46, $0x4;
	[tilespmem:s28+$0x280] =	vst v26  }
0x199: {  	s6 =	sadd.s32 $0x1, s25;
	vm12 =	veq.s32 v46, $0x0;
	vm13 =	veq.s32 v46, $0x1;
	v27 =	vadd.f32 v32, v48;
	v20 =	vld.idx.msk [tilespmem:v20+s18+$0x0], $0xffff  }
0x19a: {  	s7 =	sand.u32 $0x3, s6;
	vm14 =	veq.s32 v46, $0x2;
	vm15 =	veq.s32 v46, $0x3;
	v24 =	vadd.f32 v24, v34;
	[tilespmem:s23+$0x200] =	vst v60  }
0x19b: {  	s7 =	sshll.u32 s7, $0x5;
	v25 =	vadd.f32 v25, v36;
	v12 =	vnsel vm8, $0x0, v12;
	v10 =	vadd.f32 v10, v27;
	[tilespmem:s0+$0x280] =	vst v30;
	v27 =	vld.idx.msk [tilespmem:v52+s18+$0x0], $0xffff  }
0x19c: {  	s12 =	sadd.s32 s7, s1;
	v31 =	vnsel vm7, $0x0, v19;
	vm7 =	veq.s32 v42, $0x4;
	v51 =	vadd.f32 v50, v33;
	v37 =	vld.idx.msk [tilespmem:v55+s18+$0x0], $0xffff;
	[tilespmem:s29+$0x200] =	vst v16  }
0x19d: {  	vm8 =	veq.s32 v42, $0x0;
	s1 =	sor.u32 $0x300, s12;
	v4 =	vadd.f32 v4, v24;
	v6 =	vadd.f32 v6, v25;
	v41 =	vld.idx.msk [tilespmem:v59+s18+$0x0], $0xffff  }
0x19e: {  	v3 =	vnsel vm8, $0x0, v3;
	v62 =	vnsel vm2, $0x0, v26;
	v13 =	vadd.f32 v13, v51;
	[tilespmem:s1+$0x5600] =	vst v20  }
0x19f: {  	s13 =	sadd.s32 $0x10, s12;
	v50 =	vnsel vm12, $0x0, v22;
	v4 =	vadd.f32 v61, v4;
	v6 =	vadd.f32 v62, v6;
	v8 =	vld.idx.msk [tilespmem:v8+s18+$0x0], $0xffff  }
0x1a0: {  	s16 =	sor.u32 $0x300, s13;
	vm2 =	veq.s32 v46, $0x6;
	v15 =	vnsel vm10, $0x0, v15;
	v51 =	vnsel vm13, $0x0, v11;
	[tilespmem:s23+$0x280] =	vst v27  }
0x1a1: {  	s6 =	sadd.s32 $0x1, s6;
	v4 =	vadd.f32 v7, v4;
	v6 =	vadd.f32 v9, v6;
	v20 =	vnsel vm1, $0x0, v20;
	[tilespmem:s16+$0x5600] =	vst v37;
	v45 =	vld.idx.msk [tilespmem:v53+s18+$0x0], $0xffff  }
0x1a2: {  	s6 =	sand.u32 $0x3, s6;
	v49 =	vnsel vm9, $0x0, v23;
	v32 =	vnsel vm5, $0x0, v30;
	v10 =	vadd.f32 v20, v10;
	v5 =	vld.idx.msk [tilespmem:v57+s18+$0x0], $0xffff;
	[tilespmem:s29+$0x280] =	vst v41  }
0x1a3: {  	s6 =	sshll.u32 s6, $0x5;
	vm5 =	veq.s32 v42, $0x6;
	v4 =	vadd.f32 v31, v4;
	v6 =	vadd.f32 v32, v6;
	v48 =	vld.idx.msk [tilespmem:v43+s18+$0x0], $0xffff  }
0x1a4: {  	s6 =	sadd.s32 s6, s26;
	vm1 =	veq.s32 v42, $0x7;
	v33 =	vadd.f32 v12, v10;
	v63 =	vnsel vm0, $0x0, v8  }
0x1a5: {  	s22 =	sor.u32 $0x300, s6;
	v3 =	vadd.f32 v3, v4;
	v37 =	vnsel vm6, $0x0, v37;
	v13 =	vadd.f32 v63, v13  }
0x1a6: {  	v54 =	vadd.f32 v49, v6;
	vm6 =	veq.s32 v42, $0x5;
	v9 =	vadd.f32 v37, v33;
	s23 =	sadd.s32 $0x10, s6;
	[tilespmem:s22+$0x5600] =	vst v45  }
0x1a7: {  	v58 =	vnsel vm15, $0x0, v38;
	vm0 =	veq.s32 v46, $0x7;
	v36 =	vadd.f32 v29, v13;
	s8 =	sor.u32 $0x300, s23;
	v2 =	vld.idx.msk [tilespmem:v44+s18+$0x0], $0xffff  }
0x1a8: {  	v14 =	vnsel vm7, $0x0, v60;
	v9 =	vadd.f32 v15, v9;
	v40 =	vnsel vm3, $0x0, v5;
	[tilespmem:s8+$0x5600] =	vst v48  }
0x1a9: {  	v52 =	vnsel vm14, $0x0, v28;
	v3 =	vadd.f32 v14, v3;
	v7 =	vadd.f32 v40, v36;
	v1 =	vld.idx.msk [tilespmem:v47+s18+$0x0], $0xffff  }
0x1aa: {  	[tilespmem:s14+$0x5600] =	vst v17;
	s0 =	sor.u32 $0x380, s12;
	vm3 =	veq.s32 v46, $0x5;
	v55 =	vnsel vm6, $0x0, v27;
	v53 =	vnsel vm11, $0x0, v35  }
0x1ab: {  	s1 =	sor.u32 $0x380, s13;
	[tilespmem:s0+$0x5600] =	vst v8;
	v4 =	vadd.f32 v55, v54;
	v7 =	vadd.f32 v53, v7;
	v56 =	vnsel vm5, $0x0, v45  }
0x1ac: {  	s25 =	sor.u32 $0x380, s6;
	[tilespmem:s1+$0x5600] =	vst v5;
	v3 =	vadd.f32 v50, v3;
	v9 =	vadd.f32 v56, v9;
	v57 =	vnsel vm1, $0x0, v2  }
0x1ad: {  	v59 =	vnsel vm4, $0x0, v16;
	s26 =	sor.u32 $0x380, s23;
	v4 =	vadd.f32 v51, v4;
	[tilespmem:s25+$0x5600] =	vst v2;
	v6 =	vadd.f32 v57, v7  }
0x1ae: {  	v3 =	vadd.f32 v59, v3;
	v60 =	vnsel vm3, $0x0, v41;
	v61 =	vadd.f32 v52, v9;
	[tilespmem:s26+$0x5600] =	vst v1  }
0x1af: {  	v62 =	vnsel vm2, $0x0, v48;
	v2 =	vadd.f32 v60, v4;
	v6 =	vadd.f32 v58, v6;
	s0 =	rddreg [dreg:$0x7]  }
0x1b0: {  	v63 =	vadd.f32 v62, v61;
	v1 =	vnsel vm0, $0x0, v1;
	[hbm4b:s0+s3] =	stream.linear.scatter [tilespmem:s19], [sflag:$0x1], $0xC800, $0x38;
	[tilespmem:$0x1E680] =	vst v63  }
0x1b1: {  	v2 =	vadd.f32 v2, v3;
	v1 =	vadd.f32 v1, v6;
	_ =	swait.ge [sflag:s21], $0xC800  }
0x1b2: {  	[sflag:s21] =	ssyncset.done $0x0  }
0x1b3: {  	s28 =	simm.s32 $0x2;
	v0 =	vsub.f32 v0, v2;
	v1 =	vadd.f32 v1, v63;
	[sflag:s21] =	ssyncadd.s32 $0xFFFF3800  }
0x1b4: {  	_ =	swait.ge [sflag:s28], $0xC800  }
0x1b5: {  	v0 =	vsub.f32 v0, v1;
	[sflag:s28] =	ssyncset.done $0x0  }
0x1b6: {  	[sflag:s28] =	ssyncadd.s32 $0xFFFF3800  }
0x1b7: {  	s30 =	simm.s32 $0x1E600;
	s29 =	rddreg [dreg:$0x8];
	[tilespmem:$0x1E600] =	vst v0  }
0x1b8: {  	[hbm4b:s29+s3] =	stream.linear.scatter [tilespmem:s30], [sflag:$0x3], $0x80, $0x38;
	[tilespmem:$0x1E680] =	vst v63  }
0x1b9: {  	_ =	swait.ge [sflag:s15], $0x80  }
0x1ba: {  	s24 =	sadd.s32 $0x1, s24;
	s31 =	rddreg [dreg:$0x9]  }
0x1bb: {  	p0 =	sne.s32 s24, s31  }
.Ltmp5:
0x1bc: {  	_ = 	snop;
	(pc) =	sbr.rel @p0 .LBB2_1-.Ltmp5, $3  }
0x1bd: {  	_ =	sdelay $0x1  }
0x1be: {  	[sflag:s15] =	ssyncset.done $0x0  }
0x1bf: {  	[sflag:s15] =	ssyncadd.s32 $0xFFFFFF80  }
0x1c0: {  	_ =	sfence.sel $0x180000  }
0x1c1: {  	[bflag:$0x0] =	sbarrier.arrive $0xFFFF  }
0x1c2: {  	_ =	strace $0x90000047  }
0x1c3: {  	s0 =	stileid.u32;
	[bflag:$0x2] =	sbarrier.arrive $0xFFFF  }
0x1c4: {  	p0 =	sne.s32 s0, $0x0;
	s0 =	rddreg [dreg:$0x2]  }
0x1c5: {  	s0 =	sadd.s32 @!p0 $0x100000, s0  }
0x1c6: {  	[sflag:s0] =	ssyncadd.tile.s32 @!p0 $0x1;
	_ =	shalt  }
.Lfunc_end2:
_tile_overlayer_lowered:
.L_overlay_start_2:
0x1c7: {  	(tag) =	ssettag $0x2  }
0x1c8: {  	s0 =	rddreg [dreg:$0x0];
	s2 =	stileid.u32  }
0x1c9: {  	s1 =	rddreg [dreg:$0x1];
	p0 =	sne.s32 s2, $0x0  }
0x1ca: {  	s3 =	rddreg [dreg:$0x2];
	[bflag:$0x3] =	sbarrier.arrive $0xFFFF;
	s2 =	simm.s32 @!p0 $0x1C03  }
0x1cb: {  	[timem:s3], [sflag:s2] =	dma.local @!p0 [hbm:s0], s1  }
0x1cc: {  	s0 =	simm.s32 @!p0 $0x3  }
0x1cd: {  	_ =	swait.ge @!p0 [sflag:s0], s1  }
0x1ce: {  	s1 =	ssub.s32 @!p0 $0x0, s1;
	[sflag:s0] =	ssyncset.done @!p0 $0x0  }
0x1cf: {  	[sflag:s0] =	ssyncadd.s32 @!p0 s1  }
0x1d0: {  	[bflag:$0x3] =	sbarrier.arrive $0xFFFF  }
0x1d1: {  	_ =	shalt  }

</sc_bundles>
